<compile_context>
chip_gen: v7x
topology: tpu7x:2x2x1
jax: 0.10.2.dev20260603
libtpu: 0.0.44.dev20260713+nightly
codegen_flags: <defaults>
</compile_context>

<pallas_src>
import functools

import jax
import jax.numpy as jnp
from jax import lax
from jax.experimental import pallas as pl
from jax.experimental.pallas import tpu as pltpu
from jax.experimental.pallas import tpu_sc as plsc

NUM_CORES = 2
NUM_SUBCORES = 16
NUM_WORKERS = NUM_CORES * NUM_SUBCORES
LANES = 16
CHUNK = 128
DEPTH = 16


def _make_gather(n_lookups: int, d: int, stride: int, n_per_w: int):
    n_elem_w = n_per_w * d
    n_chunks = n_elem_w // CHUNK
    mesh = plsc.VectorSubcoreMesh(
        core_axis_name="c", subcore_axis_name="s",
        num_cores=NUM_CORES, num_subcores=NUM_SUBCORES)
    n_groups = n_chunks // DEPTH
    grp_elem = DEPTH * CHUNK
    grp_look = grp_elem // d
    grp_vecs = grp_look // LANES

    @functools.partial(
        pl.kernel,
        out_type=jax.ShapeDtypeStruct((n_lookups * d,), jnp.float32),
        mesh=mesh,
        scratch_types=[
            pltpu.VMEM((n_per_w,), jnp.int32),
            pltpu.VMEM((n_elem_w,), jnp.int32),
            pltpu.VMEM((n_elem_w,), jnp.float32),
            pltpu.SemaphoreType.DMA,
            pltpu.SemaphoreType.DMA,
        ],
        compiler_params=pltpu.CompilerParams(
            use_tc_tiling_on_sc=False, needs_layout_passes=False),
    )
    def gather(table_hbm, base_hbm, out_hbm, ev0, ev, vals, sem, osem):
        wid = lax.axis_index("s") * NUM_CORES + lax.axis_index("c")
        base = wid * n_per_w
        pltpu.sync_copy(base_hbm.at[pl.ds(base, n_per_w)], ev0)

        lane = lax.iota(jnp.int32, LANES)

        def expand(g):
            @pl.loop(0, grp_vecs)
            def _(j):
                look0 = g * grp_look + j * LANES
                e = ev0[pl.ds(look0, LANES)]
                pos = look0 * d + lane * d
                for q in range(d):
                    plsc.store_scatter(ev, [pos + q], e + q * stride)

        def fire(g):
            goff = g * grp_elem
            for b in range(DEPTH):
                off = goff + b * CHUNK
                pltpu.async_copy(
                    table_hbm.at[ev.at[pl.ds(off, CHUNK)]],
                    vals.at[pl.ds(off, CHUNK)],
                    sem,
                )

        def fire_descs_only(g):
            goff = g * grp_elem
            return [
                pltpu.make_async_copy(
                    table_hbm.at[ev.at[pl.ds(goff + b * CHUNK, CHUNK)]],
                    vals.at[pl.ds(goff + b * CHUNK, CHUNK)],
                    sem,
                )
                for b in range(DEPTH)
            ]

        def drain(descs):
            for desc in descs:
                desc.wait()

        expand(0)

        @pl.loop(0, n_groups)
        def _(g):
            fire(g)

            @pl.when(g < n_groups - 1)
            def _():
                expand(g + 1)

            @pl.when(g > 0)
            def _():
                drain(fire_descs_only(g - 1))
                pltpu.async_copy(
                    vals.at[pl.ds((g - 1) * grp_elem, grp_elem)],
                    out_hbm.at[pl.ds(base * d + (g - 1) * grp_elem,
                                     grp_elem)],
                    osem,
                )

        last = n_groups - 1
        drain(fire_descs_only(last))
        pltpu.async_copy(
            vals.at[pl.ds(last * grp_elem, grp_elem)],
            out_hbm.at[pl.ds(base * d + last * grp_elem, grp_elem)],
            osem,
        )

        @pl.loop(0, n_groups)
        def _(g):
            pltpu.make_async_copy(
                vals.at[pl.ds(0, grp_elem)],
                out_hbm.at[pl.ds(base * d, grp_elem)],
                osem,
            ).wait()

    return gather


def kernel(x, tables):
    batch, num_fields = x.shape
    num_emb, d = tables.shape[1], tables.shape[2]
    x1 = x.reshape(-1)

    v_pad = -num_emb % 128
    vt = (num_emb + v_pad) // 128
    p = jnp.pad(tables, ((0, 0), (0, v_pad), (0, 0)))
    table_flat = (
        p.reshape(num_fields, vt, 128, d).transpose(0, 1, 3, 2).reshape(-1))

    k = jnp.arange(batch * num_fields, dtype=jnp.int32)
    base_idx = ((k % num_fields) * (vt * d * 128)
                + (x1 >> 7) * (d * 128) + (x1 & 127))

    n_lookups = batch * num_fields
    n_per_w = n_lookups // NUM_WORKERS
    out = _make_gather(n_lookups, d, 128, n_per_w)(table_flat, base_idx)
    return out.reshape(batch, num_fields * d)

# --- scband reference (transcript-rebuilt; emitter-appended) ---
"""Pipeline reference for scband-label-embedding-6562710028915 (READ-ONLY COPY).

The authoritative reference and input builder live on the scoring server;
editing this copy changes nothing except your own understanding.
"""

import jax, jax.numpy as jnp
import numpy as np

NUM_FIELDS = 26
VOCAB = 100000
PER_FIELD_DIM = 128 // NUM_FIELDS  # 4, CONCAT splits embedding_dim across fields
BATCH = 16384


def setup_inputs(seed: int = 0) -> dict:
    key = jax.random.key(seed)
    k1, k2 = jax.random.split(key)
    x = jax.random.randint(k1, (BATCH, NUM_FIELDS), 0, VOCAB, dtype=jnp.int32)
    # each nn.Embedding has (amount + 1) rows; stack all field tables
    tables = jax.random.normal(k2, (NUM_FIELDS, VOCAB + 1, PER_FIELD_DIM), dtype=jnp.float32) * 0.02
    return {"x": x, "tables": tables}


def reference(x, tables):
    num_embeddings = tables.shape[1]
    embs = []
    for i in range(NUM_FIELDS):
        label = x[:, i]
        label = jnp.where(label < 0, num_embeddings - 1, label)
        embs.append(jnp.take(tables[i], label, axis=0))
    # LabelCombinationType.CONCAT
    return jnp.concatenate(embs, axis=-1)

if __name__ == "__main__":
    import jax
    _d = setup_inputs()
    print(jax.jit(kernel)(*tuple(_d.values())))

</pallas_src>

<mosaic_0001>
#map = affine_map<(d0, d1) -> (0)>
module attributes {stable_mosaic.version = 14 : i64} {
  func.func @gather(%arg0: i32, %arg1: i32, %arg2: memref<10409984xf32, #tpu.memory_space<hbm>>, %arg3: memref<425984xi32, #tpu.memory_space<hbm>>, %arg4: memref<1703936xf32, #tpu.memory_space<hbm>>, %arg5: memref<13312xi32, #tpu.memory_space<vmem>>, %arg6: memref<53248xi32, #tpu.memory_space<vmem>>, %arg7: memref<53248xf32, #tpu.memory_space<vmem>>, %arg8: memref<!tpu.dma_semaphore, #tpu.memory_space<semaphore_mem>>, %arg9: memref<!tpu.dma_semaphore, #tpu.memory_space<semaphore_mem>>) attributes {dimension_semantics = [#tpu.dimension_semantics<core_parallel>, #tpu.dimension_semantics<subcore_parallel>], iteration_bounds = array<i64: 2, 16>, scalar_prefetch = 0 : i64, scratch_operands = 5 : i64, tpu.core_type = #tpu.core_type<sc_vector_subcore>, window_params = [{transform_indices = #map}, {transform_indices = #map}, {transform_indices = #map}]} {
    %mul3A = arith.constant 2 : i32
    %mul3A_0 = arith.muli %arg1, %mul3A : i32
    %add3A = arith.addi %mul3A_0, %arg0 : i32
    %mul3A_1 = arith.constant 13312 : i32
    %mul3A_2 = arith.muli %add3A, %mul3A_1 : i32
    "tpu.region"() ({
      %run_scoped3A = tpu.sem_alloc : memref<!tpu.dma_semaphore, #tpu.memory_space<semaphore_mem>>
      %dma_start3A_121 = tpu.memref_slice %arg3[%mul3A_2] : memref<425984xi32, #tpu.memory_space<hbm>> -> memref<13312xi32, #tpu.memory_space<hbm>>
      %dma_start3A_122 = tpu.memref_slice %arg3[%mul3A_2] : memref<425984xi32, #tpu.memory_space<hbm>> -> memref<13312xi32, #tpu.memory_space<hbm>>
      tpu.enqueue_dma source(%dma_start3A_122 : memref<13312xi32, #tpu.memory_space<hbm>>) target(%arg5 : memref<13312xi32, #tpu.memory_space<vmem>>) target_semaphore(%run_scoped3A : memref<!tpu.dma_semaphore, #tpu.memory_space<semaphore_mem>>)
      %dma_wait3A_123 = tpu.memref_slice %arg3[%mul3A_2] : memref<425984xi32, #tpu.memory_space<hbm>> -> memref<13312xi32, #tpu.memory_space<hbm>>
      %dma_wait3A_124 = tpu.memref_slice %arg3[%mul3A_2] : memref<425984xi32, #tpu.memory_space<hbm>> -> memref<13312xi32, #tpu.memory_space<hbm>>
      tpu.wait_dma2 semaphore(%run_scoped3A : memref<!tpu.dma_semaphore, #tpu.memory_space<semaphore_mem>>) src(%dma_wait3A_124 : memref<13312xi32, #tpu.memory_space<hbm>>) dst(%arg5 : memref<13312xi32, #tpu.memory_space<vmem>>)
      tpu.yield
    }) : () -> ()
    %iota3A = tpu.iota {dimensions = array<i32: 0>} : vector<16xi32>
    %scan3A = arith.constant 0 : i32
    %scan3A_3 = arith.constant 32 : i32
    %scan3A_4 = arith.addi %scan3A, %scan3A_3 : i32
    %scan3A_5 = arith.constant 1 : i32
    scf.for %scan3A_121 = %scan3A to %scan3A_4 step %scan3A_5  : i32 {
      %mul3A_122 = arith.constant 1 : i32
      %mul3A_123 = arith.muli %scan3A_121, %mul3A_122 : i32
      %add3A_124 = arith.constant 0 : i32
      %add3A_125 = arith.addi %add3A_124, %mul3A_123 : i32
      %mul3A_126 = arith.constant 16 : i32
      %mul3A_127 = arith.muli %add3A_125, %mul3A_126 : i32
      %add3A_128 = arith.constant 0 : i32
      %add3A_129 = arith.addi %add3A_128, %mul3A_127 : i32
      %get3A = arith.index_cast %add3A_129 : i32 to index
      %get3A_130 = tpu.vector_load %arg5[%get3A] {strides = array<i32>} : memref<13312xi32, #tpu.memory_space<vmem>>, vector<16xi32>,
      %mul3A_131 = arith.constant 4 : i32
      %mul3A_132 = arith.muli %add3A_129, %mul3A_131 : i32
      %mul3A_133 = arith.constant 4 : i32
      %mul3A_134 = vector.broadcast %mul3A_133 : i32 to vector<16xi32>
      %mul3A_135 = arith.muli %iota3A, %mul3A_134 : vector<16xi32>
      %add3A_136 = vector.broadcast %mul3A_132 : i32 to vector<16xi32>
      %add3A_137 = arith.addi %add3A_136, %mul3A_135 : vector<16xi32>
      %add3A_138 = arith.constant 0 : i32
      %add3A_139 = vector.broadcast %add3A_138 : i32 to vector<16xi32>
      %add3A_140 = arith.addi %add3A_137, %add3A_139 : vector<16xi32>
      %add3A_141 = arith.constant 0 : i32
      %add3A_142 = vector.broadcast %add3A_141 : i32 to vector<16xi32>
      %add3A_143 = arith.addi %get3A_130, %add3A_142 : vector<16xi32>
      tpu.vector_store_idx %arg6[%add3A_140], %add3A_143 : memref<53248xi32, #tpu.memory_space<vmem>>[vector<16xi32>], vector<16xi32>,
      %add3A_144 = arith.constant 1 : i32
      %add3A_145 = vector.broadcast %add3A_144 : i32 to vector<16xi32>
      %add3A_146 = arith.addi %add3A_137, %add3A_145 : vector<16xi32>
      %add3A_147 = arith.constant 128 : i32
      %add3A_148 = vector.broadcast %add3A_147 : i32 to vector<16xi32>
      %add3A_149 = arith.addi %get3A_130, %add3A_148 : vector<16xi32>
      tpu.vector_store_idx %arg6[%add3A_146], %add3A_149 : memref<53248xi32, #tpu.memory_space<vmem>>[vector<16xi32>], vector<16xi32>,
      %add3A_150 = arith.constant 2 : i32
      %add3A_151 = vector.broadcast %add3A_150 : i32 to vector<16xi32>
      %add3A_152 = arith.addi %add3A_137, %add3A_151 : vector<16xi32>
      %add3A_153 = arith.constant 256 : i32
      %add3A_154 = vector.broadcast %add3A_153 : i32 to vector<16xi32>
      %add3A_155 = arith.addi %get3A_130, %add3A_154 : vector<16xi32>
      tpu.vector_store_idx %arg6[%add3A_152], %add3A_155 : memref<53248xi32, #tpu.memory_space<vmem>>[vector<16xi32>], vector<16xi32>,
      %add3A_156 = arith.constant 3 : i32
      %add3A_157 = vector.broadcast %add3A_156 : i32 to vector<16xi32>
      %add3A_158 = arith.addi %add3A_137, %add3A_157 : vector<16xi32>
      %add3A_159 = arith.constant 384 : i32
      %add3A_160 = vector.broadcast %add3A_159 : i32 to vector<16xi32>
      %add3A_161 = arith.addi %get3A_130, %add3A_160 : vector<16xi32>
      tpu.vector_store_idx %arg6[%add3A_158], %add3A_161 : memref<53248xi32, #tpu.memory_space<vmem>>[vector<16xi32>], vector<16xi32>,
    }
    %scan3A_6 = arith.constant 32 : i32
    %scan3A_7 = arith.constant 0 : i32
    %scan3A_8 = arith.constant 26 : i32
    %scan3A_9 = arith.addi %scan3A_7, %scan3A_8 : i32
    %scan3A_10 = arith.constant 1 : i32
    scf.for %scan3A_121 = %scan3A_7 to %scan3A_9 step %scan3A_10  : i32 {
      %mul3A_122 = arith.constant 1 : i32
      %mul3A_123 = arith.muli %scan3A_121, %mul3A_122 : i32
      %add3A_124 = arith.constant 0 : i32
      %add3A_125 = arith.addi %add3A_124, %mul3A_123 : i32
      %mul3A_126 = arith.constant 2048 : i32
      %mul3A_127 = arith.muli %add3A_125, %mul3A_126 : i32
      %add3A_128 = arith.constant 0 : i32
      %add3A_129 = arith.addi %mul3A_127, %add3A_128 : i32
      %dma_start3A_130 = tpu.memref_slice %arg7[%add3A_129] : memref<53248xf32, #tpu.memory_space<vmem>> -> memref<128xf32, #tpu.memory_space<vmem>>
      %dma_start3A_131 = tpu.memref_slice %arg6[%add3A_129] : memref<53248xi32, #tpu.memory_space<vmem>> -> memref<128xi32, #tpu.memory_space<vmem>>
      %dma_start3A_132 = arith.constant 0 : i32
      %dma_start3A_133 = tpu.memref_slice %arg2[%dma_start3A_132] : memref<10409984xf32, #tpu.memory_space<hbm>> -> memref<10409984xf32, #tpu.memory_space<hbm>>
      tpu.enqueue_indirect_dma source(%dma_start3A_133 : memref<10409984xf32, #tpu.memory_space<hbm>>) target(%dma_start3A_130 : memref<128xf32, #tpu.memory_space<vmem>>) offsets(%dma_start3A_131 : memref<128xi32, #tpu.memory_space<vmem>>) semaphore(%arg8 : memref<!tpu.dma_semaphore, #tpu.memory_space<semaphore_mem>>)
      %add3A_134 = arith.constant 128 : i32
      %add3A_135 = arith.addi %mul3A_127, %add3A_134 : i32
      %dma_start3A_136 = tpu.memref_slice %arg7[%add3A_135] : memref<53248xf32, #tpu.memory_space<vmem>> -> memref<128xf32, #tpu.memory_space<vmem>>
      %dma_start3A_137 = tpu.memref_slice %arg6[%add3A_135] : memref<53248xi32, #tpu.memory_space<vmem>> -> memref<128xi32, #tpu.memory_space<vmem>>
      %dma_start3A_138 = arith.constant 0 : i32
      %dma_start3A_139 = tpu.memref_slice %arg2[%dma_start3A_138] : memref<10409984xf32, #tpu.memory_space<hbm>> -> memref<10409984xf32, #tpu.memory_space<hbm>>
      tpu.enqueue_indirect_dma source(%dma_start3A_139 : memref<10409984xf32, #tpu.memory_space<hbm>>) target(%dma_start3A_136 : memref<128xf32, #tpu.memory_space<vmem>>) offsets(%dma_start3A_137 : memref<128xi32, #tpu.memory_space<vmem>>) semaphore(%arg8 : memref<!tpu.dma_semaphore, #tpu.memory_space<semaphore_mem>>)
      %add3A_140 = arith.constant 256 : i32
      %add3A_141 = arith.addi %mul3A_127, %add3A_140 : i32
      %dma_start3A_142 = tpu.memref_slice %arg7[%add3A_141] : memref<53248xf32, #tpu.memory_space<vmem>> -> memref<128xf32, #tpu.memory_space<vmem>>
      %dma_start3A_143 = tpu.memref_slice %arg6[%add3A_141] : memref<53248xi32, #tpu.memory_space<vmem>> -> memref<128xi32, #tpu.memory_space<vmem>>
      %dma_start3A_144 = arith.constant 0 : i32
      %dma_start3A_145 = tpu.memref_slice %arg2[%dma_start3A_144] : memref<10409984xf32, #tpu.memory_space<hbm>> -> memref<10409984xf32, #tpu.memory_space<hbm>>
      tpu.enqueue_indirect_dma source(%dma_start3A_145 : memref<10409984xf32, #tpu.memory_space<hbm>>) target(%dma_start3A_142 : memref<128xf32, #tpu.memory_space<vmem>>) offsets(%dma_start3A_143 : memref<128xi32, #tpu.memory_space<vmem>>) semaphore(%arg8 : memref<!tpu.dma_semaphore, #tpu.memory_space<semaphore_mem>>)
      %add3A_146 = arith.constant 384 : i32
      %add3A_147 = arith.addi %mul3A_127, %add3A_146 : i32
      %dma_start3A_148 = tpu.memref_slice %arg7[%add3A_147] : memref<53248xf32, #tpu.memory_space<vmem>> -> memref<128xf32, #tpu.memory_space<vmem>>
      %dma_start3A_149 = tpu.memref_slice %arg6[%add3A_147] : memref<53248xi32, #tpu.memory_space<vmem>> -> memref<128xi32, #tpu.memory_space<vmem>>
      %dma_start3A_150 = arith.constant 0 : i32
      %dma_start3A_151 = tpu.memref_slice %arg2[%dma_start3A_150] : memref<10409984xf32, #tpu.memory_space<hbm>> -> memref<10409984xf32, #tpu.memory_space<hbm>>
      tpu.enqueue_indirect_dma source(%dma_start3A_151 : memref<10409984xf32, #tpu.memory_space<hbm>>) target(%dma_start3A_148 : memref<128xf32, #tpu.memory_space<vmem>>) offsets(%dma_start3A_149 : memref<128xi32, #tpu.memory_space<vmem>>) semaphore(%arg8 : memref<!tpu.dma_semaphore, #tpu.memory_space<semaphore_mem>>)
      %add3A_152 = arith.constant 512 : i32
      %add3A_153 = arith.addi %mul3A_127, %add3A_152 : i32
      %dma_start3A_154 = tpu.memref_slice %arg7[%add3A_153] : memref<53248xf32, #tpu.memory_space<vmem>> -> memref<128xf32, #tpu.memory_space<vmem>>
      %dma_start3A_155 = tpu.memref_slice %arg6[%add3A_153] : memref<53248xi32, #tpu.memory_space<vmem>> -> memref<128xi32, #tpu.memory_space<vmem>>
      %dma_start3A_156 = arith.constant 0 : i32
      %dma_start3A_157 = tpu.memref_slice %arg2[%dma_start3A_156] : memref<10409984xf32, #tpu.memory_space<hbm>> -> memref<10409984xf32, #tpu.memory_space<hbm>>
      tpu.enqueue_indirect_dma source(%dma_start3A_157 : memref<10409984xf32, #tpu.memory_space<hbm>>) target(%dma_start3A_154 : memref<128xf32, #tpu.memory_space<vmem>>) offsets(%dma_start3A_155 : memref<128xi32, #tpu.memory_space<vmem>>) semaphore(%arg8 : memref<!tpu.dma_semaphore, #tpu.memory_space<semaphore_mem>>)
      %add3A_158 = arith.constant 640 : i32
      %add3A_159 = arith.addi %mul3A_127, %add3A_158 : i32
      %dma_start3A_160 = tpu.memref_slice %arg7[%add3A_159] : memref<53248xf32, #tpu.memory_space<vmem>> -> memref<128xf32, #tpu.memory_space<vmem>>
      %dma_start3A_161 = tpu.memref_slice %arg6[%add3A_159] : memref<53248xi32, #tpu.memory_space<vmem>> -> memref<128xi32, #tpu.memory_space<vmem>>
      %dma_start3A_162 = arith.constant 0 : i32
      %dma_start3A_163 = tpu.memref_slice %arg2[%dma_start3A_162] : memref<10409984xf32, #tpu.memory_space<hbm>> -> memref<10409984xf32, #tpu.memory_space<hbm>>
      tpu.enqueue_indirect_dma source(%dma_start3A_163 : memref<10409984xf32, #tpu.memory_space<hbm>>) target(%dma_start3A_160 : memref<128xf32, #tpu.memory_space<vmem>>) offsets(%dma_start3A_161 : memref<128xi32, #tpu.memory_space<vmem>>) semaphore(%arg8 : memref<!tpu.dma_semaphore, #tpu.memory_space<semaphore_mem>>)
      %add3A_164 = arith.constant 768 : i32
      %add3A_165 = arith.addi %mul3A_127, %add3A_164 : i32
      %dma_start3A_166 = tpu.memref_slice %arg7[%add3A_165] : memref<53248xf32, #tpu.memory_space<vmem>> -> memref<128xf32, #tpu.memory_space<vmem>>
      %dma_start3A_167 = tpu.memref_slice %arg6[%add3A_165] : memref<53248xi32, #tpu.memory_space<vmem>> -> memref<128xi32, #tpu.memory_space<vmem>>
      %dma_start3A_168 = arith.constant 0 : i32
      %dma_start3A_169 = tpu.memref_slice %arg2[%dma_start3A_168] : memref<10409984xf32, #tpu.memory_space<hbm>> -> memref<10409984xf32, #tpu.memory_space<hbm>>
      tpu.enqueue_indirect_dma source(%dma_start3A_169 : memref<10409984xf32, #tpu.memory_space<hbm>>) target(%dma_start3A_166 : memref<128xf32, #tpu.memory_space<vmem>>) offsets(%dma_start3A_167 : memref<128xi32, #tpu.memory_space<vmem>>) semaphore(%arg8 : memref<!tpu.dma_semaphore, #tpu.memory_space<semaphore_mem>>)
      %add3A_170 = arith.constant 896 : i32
      %add3A_171 = arith.addi %mul3A_127, %add3A_170 : i32
      %dma_start3A_172 = tpu.memref_slice %arg7[%add3A_171] : memref<53248xf32, #tpu.memory_space<vmem>> -> memref<128xf32, #tpu.memory_space<vmem>>
      %dma_start3A_173 = tpu.memref_slice %arg6[%add3A_171] : memref<53248xi32, #tpu.memory_space<vmem>> -> memref<128xi32, #tpu.memory_space<vmem>>
      %dma_start3A_174 = arith.constant 0 : i32
      %dma_start3A_175 = tpu.memref_slice %arg2[%dma_start3A_174] : memref<10409984xf32, #tpu.memory_space<hbm>> -> memref<10409984xf32, #tpu.memory_space<hbm>>
      tpu.enqueue_indirect_dma source(%dma_start3A_175 : memref<10409984xf32, #tpu.memory_space<hbm>>) target(%dma_start3A_172 : memref<128xf32, #tpu.memory_space<vmem>>) offsets(%dma_start3A_173 : memref<128xi32, #tpu.memory_space<vmem>>) semaphore(%arg8 : memref<!tpu.dma_semaphore, #tpu.memory_space<semaphore_mem>>)
      %add3A_176 = arith.constant 1024 : i32
      %add3A_177 = arith.addi %mul3A_127, %add3A_176 : i32
      %dma_start3A_178 = tpu.memref_slice %arg7[%add3A_177] : memref<53248xf32, #tpu.memory_space<vmem>> -> memref<128xf32, #tpu.memory_space<vmem>>
      %dma_start3A_179 = tpu.memref_slice %arg6[%add3A_177] : memref<53248xi32, #tpu.memory_space<vmem>> -> memref<128xi32, #tpu.memory_space<vmem>>
      %dma_start3A_180 = arith.constant 0 : i32
      %dma_start3A_181 = tpu.memref_slice %arg2[%dma_start3A_180] : memref<10409984xf32, #tpu.memory_space<hbm>> -> memref<10409984xf32, #tpu.memory_space<hbm>>
      tpu.enqueue_indirect_dma source(%dma_start3A_181 : memref<10409984xf32, #tpu.memory_space<hbm>>) target(%dma_start3A_178 : memref<128xf32, #tpu.memory_space<vmem>>) offsets(%dma_start3A_179 : memref<128xi32, #tpu.memory_space<vmem>>) semaphore(%arg8 : memref<!tpu.dma_semaphore, #tpu.memory_space<semaphore_mem>>)
      %add3A_182 = arith.constant 1152 : i32
      %add3A_183 = arith.addi %mul3A_127, %add3A_182 : i32
      %dma_start3A_184 = tpu.memref_slice %arg7[%add3A_183] : memref<53248xf32, #tpu.memory_space<vmem>> -> memref<128xf32, #tpu.memory_space<vmem>>
      %dma_start3A_185 = tpu.memref_slice %arg6[%add3A_183] : memref<53248xi32, #tpu.memory_space<vmem>> -> memref<128xi32, #tpu.memory_space<vmem>>
      %dma_start3A_186 = arith.constant 0 : i32
      %dma_start3A_187 = tpu.memref_slice %arg2[%dma_start3A_186] : memref<10409984xf32, #tpu.memory_space<hbm>> -> memref<10409984xf32, #tpu.memory_space<hbm>>
      tpu.enqueue_indirect_dma source(%dma_start3A_187 : memref<10409984xf32, #tpu.memory_space<hbm>>) target(%dma_start3A_184 : memref<128xf32, #tpu.memory_space<vmem>>) offsets(%dma_start3A_185 : memref<128xi32, #tpu.memory_space<vmem>>) semaphore(%arg8 : memref<!tpu.dma_semaphore, #tpu.memory_space<semaphore_mem>>)
      %add3A_188 = arith.constant 1280 : i32
      %add3A_189 = arith.addi %mul3A_127, %add3A_188 : i32
      %dma_start3A_190 = tpu.memref_slice %arg7[%add3A_189] : memref<53248xf32, #tpu.memory_space<vmem>> -> memref<128xf32, #tpu.memory_space<vmem>>
      %dma_start3A_191 = tpu.memref_slice %arg6[%add3A_189] : memref<53248xi32, #tpu.memory_space<vmem>> -> memref<128xi32, #tpu.memory_space<vmem>>
      %dma_start3A_192 = arith.constant 0 : i32
      %dma_start3A_193 = tpu.memref_slice %arg2[%dma_start3A_192] : memref<10409984xf32, #tpu.memory_space<hbm>> -> memref<10409984xf32, #tpu.memory_space<hbm>>
      tpu.enqueue_indirect_dma source(%dma_start3A_193 : memref<10409984xf32, #tpu.memory_space<hbm>>) target(%dma_start3A_190 : memref<128xf32, #tpu.memory_space<vmem>>) offsets(%dma_start3A_191 : memref<128xi32, #tpu.memory_space<vmem>>) semaphore(%arg8 : memref<!tpu.dma_semaphore, #tpu.memory_space<semaphore_mem>>)
      %add3A_194 = arith.constant 1408 : i32
      %add3A_195 = arith.addi %mul3A_127, %add3A_194 : i32
      %dma_start3A_196 = tpu.memref_slice %arg7[%add3A_195] : memref<53248xf32, #tpu.memory_space<vmem>> -> memref<128xf32, #tpu.memory_space<vmem>>
      %dma_start3A_197 = tpu.memref_slice %arg6[%add3A_195] : memref<53248xi32, #tpu.memory_space<vmem>> -> memref<128xi32, #tpu.memory_space<vmem>>
      %dma_start3A_198 = arith.constant 0 : i32
      %dma_start3A_199 = tpu.memref_slice %arg2[%dma_start3A_198] : memref<10409984xf32, #tpu.memory_space<hbm>> -> memref<10409984xf32, #tpu.memory_space<hbm>>
      tpu.enqueue_indirect_dma source(%dma_start3A_199 : memref<10409984xf32, #tpu.memory_space<hbm>>) target(%dma_start3A_196 : memref<128xf32, #tpu.memory_space<vmem>>) offsets(%dma_start3A_197 : memref<128xi32, #tpu.memory_space<vmem>>) semaphore(%arg8 : memref<!tpu.dma_semaphore, #tpu.memory_space<semaphore_mem>>)
      %add3A_200 = arith.constant 1536 : i32
      %add3A_201 = arith.addi %mul3A_127, %add3A_200 : i32
      %dma_start3A_202 = tpu.memref_slice %arg7[%add3A_201] : memref<53248xf32, #tpu.memory_space<vmem>> -> memref<128xf32, #tpu.memory_space<vmem>>
      %dma_start3A_203 = tpu.memref_slice %arg6[%add3A_201] : memref<53248xi32, #tpu.memory_space<vmem>> -> memref<128xi32, #tpu.memory_space<vmem>>
      %dma_start3A_204 = arith.constant 0 : i32
      %dma_start3A_205 = tpu.memref_slice %arg2[%dma_start3A_204] : memref<10409984xf32, #tpu.memory_space<hbm>> -> memref<10409984xf32, #tpu.memory_space<hbm>>
      tpu.enqueue_indirect_dma source(%dma_start3A_205 : memref<10409984xf32, #tpu.memory_space<hbm>>) target(%dma_start3A_202 : memref<128xf32, #tpu.memory_space<vmem>>) offsets(%dma_start3A_203 : memref<128xi32, #tpu.memory_space<vmem>>) semaphore(%arg8 : memref<!tpu.dma_semaphore, #tpu.memory_space<semaphore_mem>>)
      %add3A_206 = arith.constant 1664 : i32
      %add3A_207 = arith.addi %mul3A_127, %add3A_206 : i32
      %dma_start3A_208 = tpu.memref_slice %arg7[%add3A_207] : memref<53248xf32, #tpu.memory_space<vmem>> -> memref<128xf32, #tpu.memory_space<vmem>>
      %dma_start3A_209 = tpu.memref_slice %arg6[%add3A_207] : memref<53248xi32, #tpu.memory_space<vmem>> -> memref<128xi32, #tpu.memory_space<vmem>>
      %dma_start3A_210 = arith.constant 0 : i32
      %dma_start3A_211 = tpu.memref_slice %arg2[%dma_start3A_210] : memref<10409984xf32, #tpu.memory_space<hbm>> -> memref<10409984xf32, #tpu.memory_space<hbm>>
      tpu.enqueue_indirect_dma source(%dma_start3A_211 : memref<10409984xf32, #tpu.memory_space<hbm>>) target(%dma_start3A_208 : memref<128xf32, #tpu.memory_space<vmem>>) offsets(%dma_start3A_209 : memref<128xi32, #tpu.memory_space<vmem>>) semaphore(%arg8 : memref<!tpu.dma_semaphore, #tpu.memory_space<semaphore_mem>>)
      %add3A_212 = arith.constant 1792 : i32
      %add3A_213 = arith.addi %mul3A_127, %add3A_212 : i32
      %dma_start3A_214 = tpu.memref_slice %arg7[%add3A_213] : memref<53248xf32, #tpu.memory_space<vmem>> -> memref<128xf32, #tpu.memory_space<vmem>>
      %dma_start3A_215 = tpu.memref_slice %arg6[%add3A_213] : memref<53248xi32, #tpu.memory_space<vmem>> -> memref<128xi32, #tpu.memory_space<vmem>>
      %dma_start3A_216 = arith.constant 0 : i32
      %dma_start3A_217 = tpu.memref_slice %arg2[%dma_start3A_216] : memref<10409984xf32, #tpu.memory_space<hbm>> -> memref<10409984xf32, #tpu.memory_space<hbm>>
      tpu.enqueue_indirect_dma source(%dma_start3A_217 : memref<10409984xf32, #tpu.memory_space<hbm>>) target(%dma_start3A_214 : memref<128xf32, #tpu.memory_space<vmem>>) offsets(%dma_start3A_215 : memref<128xi32, #tpu.memory_space<vmem>>) semaphore(%arg8 : memref<!tpu.dma_semaphore, #tpu.memory_space<semaphore_mem>>)
      %add3A_218 = arith.constant 1920 : i32
      %add3A_219 = arith.addi %mul3A_127, %add3A_218 : i32
      %dma_start3A_220 = tpu.memref_slice %arg7[%add3A_219] : memref<53248xf32, #tpu.memory_space<vmem>> -> memref<128xf32, #tpu.memory_space<vmem>>
      %dma_start3A_221 = tpu.memref_slice %arg6[%add3A_219] : memref<53248xi32, #tpu.memory_space<vmem>> -> memref<128xi32, #tpu.memory_space<vmem>>
      %dma_start3A_222 = arith.constant 0 : i32
      %dma_start3A_223 = tpu.memref_slice %arg2[%dma_start3A_222] : memref<10409984xf32, #tpu.memory_space<hbm>> -> memref<10409984xf32, #tpu.memory_space<hbm>>
      tpu.enqueue_indirect_dma source(%dma_start3A_223 : memref<10409984xf32, #tpu.memory_space<hbm>>) target(%dma_start3A_220 : memref<128xf32, #tpu.memory_space<vmem>>) offsets(%dma_start3A_221 : memref<128xi32, #tpu.memory_space<vmem>>) semaphore(%arg8 : memref<!tpu.dma_semaphore, #tpu.memory_space<semaphore_mem>>)
      %lt3A = arith.constant 25 : i32
      %lt3A_224 = arith.cmpi slt, %add3A_125, %lt3A : i32
      %convert_element_type3A = arith.extui %lt3A_224 : i1 to i32
      %cond3A = arith.constant 0 : i32
      %cond3A_225 = arith.cmpi ne, %convert_element_type3A, %cond3A : i32
      scf.if %cond3A_225 {
        %add3A_230 = arith.constant 1 : i32
        %add3A_231 = arith.addi %add3A_125, %add3A_230 : i32
        %scan3A_232 = arith.constant 0 : i32
        %scan3A_233 = arith.constant 32 : i32
        %scan3A_234 = arith.addi %scan3A_232, %scan3A_233 : i32
        %scan3A_235 = arith.constant 1 : i32
        scf.for %scan3A_237 = %scan3A_232 to %scan3A_234 step %scan3A_235  : i32 {
          %mul3A_238 = arith.constant 1 : i32
          %mul3A_239 = arith.muli %scan3A_237, %mul3A_238 : i32
          %add3A_240 = arith.constant 0 : i32
          %add3A_241 = arith.addi %add3A_240, %mul3A_239 : i32
          %mul3A_242 = arith.constant 512 : i32
          %mul3A_243 = arith.muli %add3A_231, %mul3A_242 : i32
          %mul3A_244 = arith.constant 16 : i32
          %mul3A_245 = arith.muli %add3A_241, %mul3A_244 : i32
          %add3A_246 = arith.addi %mul3A_243, %mul3A_245 : i32
          %get3A = arith.index_cast %add3A_246 : i32 to index
          %get3A_247 = tpu.vector_load %arg5[%get3A] {strides = array<i32>} : memref<13312xi32, #tpu.memory_space<vmem>>, vector<16xi32>,
          %mul3A_248 = arith.constant 4 : i32
          %mul3A_249 = arith.muli %add3A_246, %mul3A_248 : i32
          %mul3A_250 = arith.constant 4 : i32
          %mul3A_251 = vector.broadcast %mul3A_250 : i32 to vector<16xi32>
          %mul3A_252 = arith.muli %iota3A, %mul3A_251 : vector<16xi32>
          %add3A_253 = vector.broadcast %mul3A_249 : i32 to vector<16xi32>
          %add3A_254 = arith.addi %add3A_253, %mul3A_252 : vector<16xi32>
          %add3A_255 = arith.constant 0 : i32
          %add3A_256 = vector.broadcast %add3A_255 : i32 to vector<16xi32>
          %add3A_257 = arith.addi %add3A_254, %add3A_256 : vector<16xi32>
          %add3A_258 = arith.constant 0 : i32
          %add3A_259 = vector.broadcast %add3A_258 : i32 to vector<16xi32>
          %add3A_260 = arith.addi %get3A_247, %add3A_259 : vector<16xi32>
          tpu.vector_store_idx %arg6[%add3A_257], %add3A_260 : memref<53248xi32, #tpu.memory_space<vmem>>[vector<16xi32>], vector<16xi32>,
          %add3A_261 = arith.constant 1 : i32
          %add3A_262 = vector.broadcast %add3A_261 : i32 to vector<16xi32>
          %add3A_263 = arith.addi %add3A_254, %add3A_262 : vector<16xi32>
          %add3A_264 = arith.constant 128 : i32
          %add3A_265 = vector.broadcast %add3A_264 : i32 to vector<16xi32>
          %add3A_266 = arith.addi %get3A_247, %add3A_265 : vector<16xi32>
          tpu.vector_store_idx %arg6[%add3A_263], %add3A_266 : memref<53248xi32, #tpu.memory_space<vmem>>[vector<16xi32>], vector<16xi32>,
          %add3A_267 = arith.constant 2 : i32
          %add3A_268 = vector.broadcast %add3A_267 : i32 to vector<16xi32>
          %add3A_269 = arith.addi %add3A_254, %add3A_268 : vector<16xi32>
          %add3A_270 = arith.constant 256 : i32
          %add3A_271 = vector.broadcast %add3A_270 : i32 to vector<16xi32>
          %add3A_272 = arith.addi %get3A_247, %add3A_271 : vector<16xi32>
          tpu.vector_store_idx %arg6[%add3A_269], %add3A_272 : memref<53248xi32, #tpu.memory_space<vmem>>[vector<16xi32>], vector<16xi32>,
          %add3A_273 = arith.constant 3 : i32
          %add3A_274 = vector.broadcast %add3A_273 : i32 to vector<16xi32>
          %add3A_275 = arith.addi %add3A_254, %add3A_274 : vector<16xi32>
          %add3A_276 = arith.constant 384 : i32
          %add3A_277 = vector.broadcast %add3A_276 : i32 to vector<16xi32>
          %add3A_278 = arith.addi %get3A_247, %add3A_277 : vector<16xi32>
          tpu.vector_store_idx %arg6[%add3A_275], %add3A_278 : memref<53248xi32, #tpu.memory_space<vmem>>[vector<16xi32>], vector<16xi32>,
        }
        %scan3A_236 = arith.constant 32 : i32
      } else {
      }
      %gt3A = arith.constant 0 : i32
      %gt3A_226 = arith.cmpi sgt, %add3A_125, %gt3A : i32
      %convert_element_type3A_227 = arith.extui %gt3A_226 : i1 to i32
      %cond3A_228 = arith.constant 0 : i32
      %cond3A_229 = arith.cmpi ne, %convert_element_type3A_227, %cond3A_228 : i32
      scf.if %cond3A_229 {
        %sub3A = arith.constant 1 : i32
        %sub3A_230 = arith.subi %add3A_125, %sub3A : i32
        %mul3A_231 = arith.constant 2048 : i32
        %mul3A_232 = arith.muli %sub3A_230, %mul3A_231 : i32
        %add3A_233 = arith.constant 0 : i32
        %add3A_234 = arith.addi %mul3A_232, %add3A_233 : i32
        %add3A_235 = arith.constant 0 : i32
        %add3A_236 = arith.addi %mul3A_232, %add3A_235 : i32
        %add3A_237 = arith.constant 128 : i32
        %add3A_238 = arith.addi %mul3A_232, %add3A_237 : i32
        %add3A_239 = arith.constant 128 : i32
        %add3A_240 = arith.addi %mul3A_232, %add3A_239 : i32
        %add3A_241 = arith.constant 256 : i32
        %add3A_242 = arith.addi %mul3A_232, %add3A_241 : i32
        %add3A_243 = arith.constant 256 : i32
        %add3A_244 = arith.addi %mul3A_232, %add3A_243 : i32
        %add3A_245 = arith.constant 384 : i32
        %add3A_246 = arith.addi %mul3A_232, %add3A_245 : i32
        %add3A_247 = arith.constant 384 : i32
        %add3A_248 = arith.addi %mul3A_232, %add3A_247 : i32
        %add3A_249 = arith.constant 512 : i32
        %add3A_250 = arith.addi %mul3A_232, %add3A_249 : i32
        %add3A_251 = arith.constant 512 : i32
        %add3A_252 = arith.addi %mul3A_232, %add3A_251 : i32
        %add3A_253 = arith.constant 640 : i32
        %add3A_254 = arith.addi %mul3A_232, %add3A_253 : i32
        %add3A_255 = arith.constant 640 : i32
        %add3A_256 = arith.addi %mul3A_232, %add3A_255 : i32
        %add3A_257 = arith.constant 768 : i32
        %add3A_258 = arith.addi %mul3A_232, %add3A_257 : i32
        %add3A_259 = arith.constant 768 : i32
        %add3A_260 = arith.addi %mul3A_232, %add3A_259 : i32
        %add3A_261 = arith.constant 896 : i32
        %add3A_262 = arith.addi %mul3A_232, %add3A_261 : i32
        %add3A_263 = arith.constant 896 : i32
        %add3A_264 = arith.addi %mul3A_232, %add3A_263 : i32
        %add3A_265 = arith.constant 1024 : i32
        %add3A_266 = arith.addi %mul3A_232, %add3A_265 : i32
        %add3A_267 = arith.constant 1024 : i32
        %add3A_268 = arith.addi %mul3A_232, %add3A_267 : i32
        %add3A_269 = arith.constant 1152 : i32
        %add3A_270 = arith.addi %mul3A_232, %add3A_269 : i32
        %add3A_271 = arith.constant 1152 : i32
        %add3A_272 = arith.addi %mul3A_232, %add3A_271 : i32
        %add3A_273 = arith.constant 1280 : i32
        %add3A_274 = arith.addi %mul3A_232, %add3A_273 : i32
        %add3A_275 = arith.constant 1280 : i32
        %add3A_276 = arith.addi %mul3A_232, %add3A_275 : i32
        %add3A_277 = arith.constant 1408 : i32
        %add3A_278 = arith.addi %mul3A_232, %add3A_277 : i32
        %add3A_279 = arith.constant 1408 : i32
        %add3A_280 = arith.addi %mul3A_232, %add3A_279 : i32
        %add3A_281 = arith.constant 1536 : i32
        %add3A_282 = arith.addi %mul3A_232, %add3A_281 : i32
        %add3A_283 = arith.constant 1536 : i32
        %add3A_284 = arith.addi %mul3A_232, %add3A_283 : i32
        %add3A_285 = arith.constant 1664 : i32
        %add3A_286 = arith.addi %mul3A_232, %add3A_285 : i32
        %add3A_287 = arith.constant 1664 : i32
        %add3A_288 = arith.addi %mul3A_232, %add3A_287 : i32
        %add3A_289 = arith.constant 1792 : i32
        %add3A_290 = arith.addi %mul3A_232, %add3A_289 : i32
        %add3A_291 = arith.constant 1792 : i32
        %add3A_292 = arith.addi %mul3A_232, %add3A_291 : i32
        %add3A_293 = arith.constant 1920 : i32
        %add3A_294 = arith.addi %mul3A_232, %add3A_293 : i32
        %add3A_295 = arith.constant 1920 : i32
        %add3A_296 = arith.addi %mul3A_232, %add3A_295 : i32
        %dma_wait3A_297 = tpu.memref_slice %arg7[%add3A_236] : memref<53248xf32, #tpu.memory_space<vmem>> -> memref<128xf32, #tpu.memory_space<vmem>>
        %dma_wait3A_298 = tpu.memref_slice %arg6[%add3A_234] : memref<53248xi32, #tpu.memory_space<vmem>> -> memref<128xi32, #tpu.memory_space<vmem>>
        %dma_wait3A_299 = arith.constant 0 : i32
        %dma_wait3A_300 = tpu.memref_slice %arg2[%dma_wait3A_299] : memref<10409984xf32, #tpu.memory_space<hbm>> -> memref<10409984xf32, #tpu.memory_space<hbm>>
        tpu.wait_indirect_dma semaphore(%arg8 : memref<!tpu.dma_semaphore, #tpu.memory_space<semaphore_mem>>) src(%dma_wait3A_300 : memref<10409984xf32, #tpu.memory_space<hbm>>) dst(%dma_wait3A_297 : memref<128xf32, #tpu.memory_space<vmem>>)
        %dma_wait3A_301 = tpu.memref_slice %arg7[%add3A_240] : memref<53248xf32, #tpu.memory_space<vmem>> -> memref<128xf32, #tpu.memory_space<vmem>>
        %dma_wait3A_302 = tpu.memref_slice %arg6[%add3A_238] : memref<53248xi32, #tpu.memory_space<vmem>> -> memref<128xi32, #tpu.memory_space<vmem>>
        %dma_wait3A_303 = arith.constant 0 : i32
        %dma_wait3A_304 = tpu.memref_slice %arg2[%dma_wait3A_303] : memref<10409984xf32, #tpu.memory_space<hbm>> -> memref<10409984xf32, #tpu.memory_space<hbm>>
        tpu.wait_indirect_dma semaphore(%arg8 : memref<!tpu.dma_semaphore, #tpu.memory_space<semaphore_mem>>) src(%dma_wait3A_304 : memref<10409984xf32, #tpu.memory_space<hbm>>) dst(%dma_wait3A_301 : memref<128xf32, #tpu.memory_space<vmem>>)
        %dma_wait3A_305 = tpu.memref_slice %arg7[%add3A_244] : memref<53248xf32, #tpu.memory_space<vmem>> -> memref<128xf32, #tpu.memory_space<vmem>>
        %dma_wait3A_306 = tpu.memref_slice %arg6[%add3A_242] : memref<53248xi32, #tpu.memory_space<vmem>> -> memref<128xi32, #tpu.memory_space<vmem>>
        %dma_wait3A_307 = arith.constant 0 : i32
        %dma_wait3A_308 = tpu.memref_slice %arg2[%dma_wait3A_307] : memref<10409984xf32, #tpu.memory_space<hbm>> -> memref<10409984xf32, #tpu.memory_space<hbm>>
        tpu.wait_indirect_dma semaphore(%arg8 : memref<!tpu.dma_semaphore, #tpu.memory_space<semaphore_mem>>) src(%dma_wait3A_308 : memref<10409984xf32, #tpu.memory_space<hbm>>) dst(%dma_wait3A_305 : memref<128xf32, #tpu.memory_space<vmem>>)
        %dma_wait3A_309 = tpu.memref_slice %arg7[%add3A_248] : memref<53248xf32, #tpu.memory_space<vmem>> -> memref<128xf32, #tpu.memory_space<vmem>>
        %dma_wait3A_310 = tpu.memref_slice %arg6[%add3A_246] : memref<53248xi32, #tpu.memory_space<vmem>> -> memref<128xi32, #tpu.memory_space<vmem>>
        %dma_wait3A_311 = arith.constant 0 : i32
        %dma_wait3A_312 = tpu.memref_slice %arg2[%dma_wait3A_311] : memref<10409984xf32, #tpu.memory_space<hbm>> -> memref<10409984xf32, #tpu.memory_space<hbm>>
        tpu.wait_indirect_dma semaphore(%arg8 : memref<!tpu.dma_semaphore, #tpu.memory_space<semaphore_mem>>) src(%dma_wait3A_312 : memref<10409984xf32, #tpu.memory_space<hbm>>) dst(%dma_wait3A_309 : memref<128xf32, #tpu.memory_space<vmem>>)
        %dma_wait3A_313 = tpu.memref_slice %arg7[%add3A_252] : memref<53248xf32, #tpu.memory_space<vmem>> -> memref<128xf32, #tpu.memory_space<vmem>>
        %dma_wait3A_314 = tpu.memref_slice %arg6[%add3A_250] : memref<53248xi32, #tpu.memory_space<vmem>> -> memref<128xi32, #tpu.memory_space<vmem>>
        %dma_wait3A_315 = arith.constant 0 : i32
        %dma_wait3A_316 = tpu.memref_slice %arg2[%dma_wait3A_315] : memref<10409984xf32, #tpu.memory_space<hbm>> -> memref<10409984xf32, #tpu.memory_space<hbm>>
        tpu.wait_indirect_dma semaphore(%arg8 : memref<!tpu.dma_semaphore, #tpu.memory_space<semaphore_mem>>) src(%dma_wait3A_316 : memref<10409984xf32, #tpu.memory_space<hbm>>) dst(%dma_wait3A_313 : memref<128xf32, #tpu.memory_space<vmem>>)
        %dma_wait3A_317 = tpu.memref_slice %arg7[%add3A_256] : memref<53248xf32, #tpu.memory_space<vmem>> -> memref<128xf32, #tpu.memory_space<vmem>>
        %dma_wait3A_318 = tpu.memref_slice %arg6[%add3A_254] : memref<53248xi32, #tpu.memory_space<vmem>> -> memref<128xi32, #tpu.memory_space<vmem>>
        %dma_wait3A_319 = arith.constant 0 : i32
        %dma_wait3A_320 = tpu.memref_slice %arg2[%dma_wait3A_319] : memref<10409984xf32, #tpu.memory_space<hbm>> -> memref<10409984xf32, #tpu.memory_space<hbm>>
        tpu.wait_indirect_dma semaphore(%arg8 : memref<!tpu.dma_semaphore, #tpu.memory_space<semaphore_mem>>) src(%dma_wait3A_320 : memref<10409984xf32, #tpu.memory_space<hbm>>) dst(%dma_wait3A_317 : memref<128xf32, #tpu.memory_space<vmem>>)
        %dma_wait3A_321 = tpu.memref_slice %arg7[%add3A_260] : memref<53248xf32, #tpu.memory_space<vmem>> -> memref<128xf32, #tpu.memory_space<vmem>>
        %dma_wait3A_322 = tpu.memref_slice %arg6[%add3A_258] : memref<53248xi32, #tpu.memory_space<vmem>> -> memref<128xi32, #tpu.memory_space<vmem>>
        %dma_wait3A_323 = arith.constant 0 : i32
        %dma_wait3A_324 = tpu.memref_slice %arg2[%dma_wait3A_323] : memref<10409984xf32, #tpu.memory_space<hbm>> -> memref<10409984xf32, #tpu.memory_space<hbm>>
        tpu.wait_indirect_dma semaphore(%arg8 : memref<!tpu.dma_semaphore, #tpu.memory_space<semaphore_mem>>) src(%dma_wait3A_324 : memref<10409984xf32, #tpu.memory_space<hbm>>) dst(%dma_wait3A_321 : memref<128xf32, #tpu.memory_space<vmem>>)
        %dma_wait3A_325 = tpu.memref_slice %arg7[%add3A_264] : memref<53248xf32, #tpu.memory_space<vmem>> -> memref<128xf32, #tpu.memory_space<vmem>>
        %dma_wait3A_326 = tpu.memref_slice %arg6[%add3A_262] : memref<53248xi32, #tpu.memory_space<vmem>> -> memref<128xi32, #tpu.memory_space<vmem>>
        %dma_wait3A_327 = arith.constant 0 : i32
        %dma_wait3A_328 = tpu.memref_slice %arg2[%dma_wait3A_327] : memref<10409984xf32, #tpu.memory_space<hbm>> -> memref<10409984xf32, #tpu.memory_space<hbm>>
        tpu.wait_indirect_dma semaphore(%arg8 : memref<!tpu.dma_semaphore, #tpu.memory_space<semaphore_mem>>) src(%dma_wait3A_328 : memref<10409984xf32, #tpu.memory_space<hbm>>) dst(%dma_wait3A_325 : memref<128xf32, #tpu.memory_space<vmem>>)
        %dma_wait3A_329 = tpu.memref_slice %arg7[%add3A_268] : memref<53248xf32, #tpu.memory_space<vmem>> -> memref<128xf32, #tpu.memory_space<vmem>>
        %dma_wait3A_330 = tpu.memref_slice %arg6[%add3A_266] : memref<53248xi32, #tpu.memory_space<vmem>> -> memref<128xi32, #tpu.memory_space<vmem>>
        %dma_wait3A_331 = arith.constant 0 : i32
        %dma_wait3A_332 = tpu.memref_slice %arg2[%dma_wait3A_331] : memref<10409984xf32, #tpu.memory_space<hbm>> -> memref<10409984xf32, #tpu.memory_space<hbm>>
        tpu.wait_indirect_dma semaphore(%arg8 : memref<!tpu.dma_semaphore, #tpu.memory_space<semaphore_mem>>) src(%dma_wait3A_332 : memref<10409984xf32, #tpu.memory_space<hbm>>) dst(%dma_wait3A_329 : memref<128xf32, #tpu.memory_space<vmem>>)
        %dma_wait3A_333 = tpu.memref_slice %arg7[%add3A_272] : memref<53248xf32, #tpu.memory_space<vmem>> -> memref<128xf32, #tpu.memory_space<vmem>>
        %dma_wait3A_334 = tpu.memref_slice %arg6[%add3A_270] : memref<53248xi32, #tpu.memory_space<vmem>> -> memref<128xi32, #tpu.memory_space<vmem>>
        %dma_wait3A_335 = arith.constant 0 : i32
        %dma_wait3A_336 = tpu.memref_slice %arg2[%dma_wait3A_335] : memref<10409984xf32, #tpu.memory_space<hbm>> -> memref<10409984xf32, #tpu.memory_space<hbm>>
        tpu.wait_indirect_dma semaphore(%arg8 : memref<!tpu.dma_semaphore, #tpu.memory_space<semaphore_mem>>) src(%dma_wait3A_336 : memref<10409984xf32, #tpu.memory_space<hbm>>) dst(%dma_wait3A_333 : memref<128xf32, #tpu.memory_space<vmem>>)
        %dma_wait3A_337 = tpu.memref_slice %arg7[%add3A_276] : memref<53248xf32, #tpu.memory_space<vmem>> -> memref<128xf32, #tpu.memory_space<vmem>>
        %dma_wait3A_338 = tpu.memref_slice %arg6[%add3A_274] : memref<53248xi32, #tpu.memory_space<vmem>> -> memref<128xi32, #tpu.memory_space<vmem>>
        %dma_wait3A_339 = arith.constant 0 : i32
        %dma_wait3A_340 = tpu.memref_slice %arg2[%dma_wait3A_339] : memref<10409984xf32, #tpu.memory_space<hbm>> -> memref<10409984xf32, #tpu.memory_space<hbm>>
        tpu.wait_indirect_dma semaphore(%arg8 : memref<!tpu.dma_semaphore, #tpu.memory_space<semaphore_mem>>) src(%dma_wait3A_340 : memref<10409984xf32, #tpu.memory_space<hbm>>) dst(%dma_wait3A_337 : memref<128xf32, #tpu.memory_space<vmem>>)
        %dma_wait3A_341 = tpu.memref_slice %arg7[%add3A_280] : memref<53248xf32, #tpu.memory_space<vmem>> -> memref<128xf32, #tpu.memory_space<vmem>>
        %dma_wait3A_342 = tpu.memref_slice %arg6[%add3A_278] : memref<53248xi32, #tpu.memory_space<vmem>> -> memref<128xi32, #tpu.memory_space<vmem>>
        %dma_wait3A_343 = arith.constant 0 : i32
        %dma_wait3A_344 = tpu.memref_slice %arg2[%dma_wait3A_343] : memref<10409984xf32, #tpu.memory_space<hbm>> -> memref<10409984xf32, #tpu.memory_space<hbm>>
        tpu.wait_indirect_dma semaphore(%arg8 : memref<!tpu.dma_semaphore, #tpu.memory_space<semaphore_mem>>) src(%dma_wait3A_344 : memref<10409984xf32, #tpu.memory_space<hbm>>) dst(%dma_wait3A_341 : memref<128xf32, #tpu.memory_space<vmem>>)
        %dma_wait3A_345 = tpu.memref_slice %arg7[%add3A_284] : memref<53248xf32, #tpu.memory_space<vmem>> -> memref<128xf32, #tpu.memory_space<vmem>>
        %dma_wait3A_346 = tpu.memref_slice %arg6[%add3A_282] : memref<53248xi32, #tpu.memory_space<vmem>> -> memref<128xi32, #tpu.memory_space<vmem>>
        %dma_wait3A_347 = arith.constant 0 : i32
        %dma_wait3A_348 = tpu.memref_slice %arg2[%dma_wait3A_347] : memref<10409984xf32, #tpu.memory_space<hbm>> -> memref<10409984xf32, #tpu.memory_space<hbm>>
        tpu.wait_indirect_dma semaphore(%arg8 : memref<!tpu.dma_semaphore, #tpu.memory_space<semaphore_mem>>) src(%dma_wait3A_348 : memref<10409984xf32, #tpu.memory_space<hbm>>) dst(%dma_wait3A_345 : memref<128xf32, #tpu.memory_space<vmem>>)
        %dma_wait3A_349 = tpu.memref_slice %arg7[%add3A_288] : memref<53248xf32, #tpu.memory_space<vmem>> -> memref<128xf32, #tpu.memory_space<vmem>>
        %dma_wait3A_350 = tpu.memref_slice %arg6[%add3A_286] : memref<53248xi32, #tpu.memory_space<vmem>> -> memref<128xi32, #tpu.memory_space<vmem>>
        %dma_wait3A_351 = arith.constant 0 : i32
        %dma_wait3A_352 = tpu.memref_slice %arg2[%dma_wait3A_351] : memref<10409984xf32, #tpu.memory_space<hbm>> -> memref<10409984xf32, #tpu.memory_space<hbm>>
        tpu.wait_indirect_dma semaphore(%arg8 : memref<!tpu.dma_semaphore, #tpu.memory_space<semaphore_mem>>) src(%dma_wait3A_352 : memref<10409984xf32, #tpu.memory_space<hbm>>) dst(%dma_wait3A_349 : memref<128xf32, #tpu.memory_space<vmem>>)
        %dma_wait3A_353 = tpu.memref_slice %arg7[%add3A_292] : memref<53248xf32, #tpu.memory_space<vmem>> -> memref<128xf32, #tpu.memory_space<vmem>>
        %dma_wait3A_354 = tpu.memref_slice %arg6[%add3A_290] : memref<53248xi32, #tpu.memory_space<vmem>> -> memref<128xi32, #tpu.memory_space<vmem>>
        %dma_wait3A_355 = arith.constant 0 : i32
        %dma_wait3A_356 = tpu.memref_slice %arg2[%dma_wait3A_355] : memref<10409984xf32, #tpu.memory_space<hbm>> -> memref<10409984xf32, #tpu.memory_space<hbm>>
        tpu.wait_indirect_dma semaphore(%arg8 : memref<!tpu.dma_semaphore, #tpu.memory_space<semaphore_mem>>) src(%dma_wait3A_356 : memref<10409984xf32, #tpu.memory_space<hbm>>) dst(%dma_wait3A_353 : memref<128xf32, #tpu.memory_space<vmem>>)
        %dma_wait3A_357 = tpu.memref_slice %arg7[%add3A_296] : memref<53248xf32, #tpu.memory_space<vmem>> -> memref<128xf32, #tpu.memory_space<vmem>>
        %dma_wait3A_358 = tpu.memref_slice %arg6[%add3A_294] : memref<53248xi32, #tpu.memory_space<vmem>> -> memref<128xi32, #tpu.memory_space<vmem>>
        %dma_wait3A_359 = arith.constant 0 : i32
        %dma_wait3A_360 = tpu.memref_slice %arg2[%dma_wait3A_359] : memref<10409984xf32, #tpu.memory_space<hbm>> -> memref<10409984xf32, #tpu.memory_space<hbm>>
        tpu.wait_indirect_dma semaphore(%arg8 : memref<!tpu.dma_semaphore, #tpu.memory_space<semaphore_mem>>) src(%dma_wait3A_360 : memref<10409984xf32, #tpu.memory_space<hbm>>) dst(%dma_wait3A_357 : memref<128xf32, #tpu.memory_space<vmem>>)
        %sub3A_361 = arith.constant 1 : i32
        %sub3A_362 = arith.subi %add3A_125, %sub3A_361 : i32
        %mul3A_363 = arith.constant 2048 : i32
        %mul3A_364 = arith.muli %sub3A_362, %mul3A_363 : i32
        %mul3A_365 = arith.constant 4 : i32
        %mul3A_366 = arith.muli %mul3A_2, %mul3A_365 : i32
        %sub3A_367 = arith.constant 1 : i32
        %sub3A_368 = arith.subi %add3A_125, %sub3A_367 : i32
        %mul3A_369 = arith.constant 2048 : i32
        %mul3A_370 = arith.muli %sub3A_368, %mul3A_369 : i32
        %add3A_371 = arith.addi %mul3A_366, %mul3A_370 : i32
        %dma_start3A_372 = tpu.memref_slice %arg7[%mul3A_364] : memref<53248xf32, #tpu.memory_space<vmem>> -> memref<2048xf32, #tpu.memory_space<vmem>>
        %dma_start3A_373 = tpu.memref_slice %arg4[%add3A_371] : memref<1703936xf32, #tpu.memory_space<hbm>> -> memref<2048xf32, #tpu.memory_space<hbm>>
        %dma_start3A_374 = tpu.memref_slice %arg4[%add3A_371] : memref<1703936xf32, #tpu.memory_space<hbm>> -> memref<2048xf32, #tpu.memory_space<hbm>>
        %dma_start3A_375 = tpu.memref_slice %arg7[%mul3A_364] : memref<53248xf32, #tpu.memory_space<vmem>> -> memref<2048xf32, #tpu.memory_space<vmem>>
        tpu.enqueue_dma source(%dma_start3A_375 : memref<2048xf32, #tpu.memory_space<vmem>>) target(%dma_start3A_374 : memref<2048xf32, #tpu.memory_space<hbm>>) target_semaphore(%arg9 : memref<!tpu.dma_semaphore, #tpu.memory_space<semaphore_mem>>)
      } else {
      }
    }
    %scan3A_11 = arith.constant 26 : i32
    %dma_wait3A = arith.constant 51200 : i32
    %dma_wait3A_12 = tpu.memref_slice %arg7[%dma_wait3A] : memref<53248xf32, #tpu.memory_space<vmem>> -> memref<128xf32, #tpu.memory_space<vmem>>
    %dma_wait3A_13 = arith.constant 51200 : i32
    %dma_wait3A_14 = tpu.memref_slice %arg6[%dma_wait3A_13] : memref<53248xi32, #tpu.memory_space<vmem>> -> memref<128xi32, #tpu.memory_space<vmem>>
    %dma_wait3A_15 = arith.constant 0 : i32
    %dma_wait3A_16 = tpu.memref_slice %arg2[%dma_wait3A_15] : memref<10409984xf32, #tpu.memory_space<hbm>> -> memref<10409984xf32, #tpu.memory_space<hbm>>
    tpu.wait_indirect_dma semaphore(%arg8 : memref<!tpu.dma_semaphore, #tpu.memory_space<semaphore_mem>>) src(%dma_wait3A_16 : memref<10409984xf32, #tpu.memory_space<hbm>>) dst(%dma_wait3A_12 : memref<128xf32, #tpu.memory_space<vmem>>)
    %dma_wait3A_17 = arith.constant 51328 : i32
    %dma_wait3A_18 = tpu.memref_slice %arg7[%dma_wait3A_17] : memref<53248xf32, #tpu.memory_space<vmem>> -> memref<128xf32, #tpu.memory_space<vmem>>
    %dma_wait3A_19 = arith.constant 51328 : i32
    %dma_wait3A_20 = tpu.memref_slice %arg6[%dma_wait3A_19] : memref<53248xi32, #tpu.memory_space<vmem>> -> memref<128xi32, #tpu.memory_space<vmem>>
    %dma_wait3A_21 = arith.constant 0 : i32
    %dma_wait3A_22 = tpu.memref_slice %arg2[%dma_wait3A_21] : memref<10409984xf32, #tpu.memory_space<hbm>> -> memref<10409984xf32, #tpu.memory_space<hbm>>
    tpu.wait_indirect_dma semaphore(%arg8 : memref<!tpu.dma_semaphore, #tpu.memory_space<semaphore_mem>>) src(%dma_wait3A_22 : memref<10409984xf32, #tpu.memory_space<hbm>>) dst(%dma_wait3A_18 : memref<128xf32, #tpu.memory_space<vmem>>)
    %dma_wait3A_23 = arith.constant 51456 : i32
    %dma_wait3A_24 = tpu.memref_slice %arg7[%dma_wait3A_23] : memref<53248xf32, #tpu.memory_space<vmem>> -> memref<128xf32, #tpu.memory_space<vmem>>
    %dma_wait3A_25 = arith.constant 51456 : i32
    %dma_wait3A_26 = tpu.memref_slice %arg6[%dma_wait3A_25] : memref<53248xi32, #tpu.memory_space<vmem>> -> memref<128xi32, #tpu.memory_space<vmem>>
    %dma_wait3A_27 = arith.constant 0 : i32
    %dma_wait3A_28 = tpu.memref_slice %arg2[%dma_wait3A_27] : memref<10409984xf32, #tpu.memory_space<hbm>> -> memref<10409984xf32, #tpu.memory_space<hbm>>
    tpu.wait_indirect_dma semaphore(%arg8 : memref<!tpu.dma_semaphore, #tpu.memory_space<semaphore_mem>>) src(%dma_wait3A_28 : memref<10409984xf32, #tpu.memory_space<hbm>>) dst(%dma_wait3A_24 : memref<128xf32, #tpu.memory_space<vmem>>)
    %dma_wait3A_29 = arith.constant 51584 : i32
    %dma_wait3A_30 = tpu.memref_slice %arg7[%dma_wait3A_29] : memref<53248xf32, #tpu.memory_space<vmem>> -> memref<128xf32, #tpu.memory_space<vmem>>
    %dma_wait3A_31 = arith.constant 51584 : i32
    %dma_wait3A_32 = tpu.memref_slice %arg6[%dma_wait3A_31] : memref<53248xi32, #tpu.memory_space<vmem>> -> memref<128xi32, #tpu.memory_space<vmem>>
    %dma_wait3A_33 = arith.constant 0 : i32
    %dma_wait3A_34 = tpu.memref_slice %arg2[%dma_wait3A_33] : memref<10409984xf32, #tpu.memory_space<hbm>> -> memref<10409984xf32, #tpu.memory_space<hbm>>
    tpu.wait_indirect_dma semaphore(%arg8 : memref<!tpu.dma_semaphore, #tpu.memory_space<semaphore_mem>>) src(%dma_wait3A_34 : memref<10409984xf32, #tpu.memory_space<hbm>>) dst(%dma_wait3A_30 : memref<128xf32, #tpu.memory_space<vmem>>)
    %dma_wait3A_35 = arith.constant 51712 : i32
    %dma_wait3A_36 = tpu.memref_slice %arg7[%dma_wait3A_35] : memref<53248xf32, #tpu.memory_space<vmem>> -> memref<128xf32, #tpu.memory_space<vmem>>
    %dma_wait3A_37 = arith.constant 51712 : i32
    %dma_wait3A_38 = tpu.memref_slice %arg6[%dma_wait3A_37] : memref<53248xi32, #tpu.memory_space<vmem>> -> memref<128xi32, #tpu.memory_space<vmem>>
    %dma_wait3A_39 = arith.constant 0 : i32
    %dma_wait3A_40 = tpu.memref_slice %arg2[%dma_wait3A_39] : memref<10409984xf32, #tpu.memory_space<hbm>> -> memref<10409984xf32, #tpu.memory_space<hbm>>
    tpu.wait_indirect_dma semaphore(%arg8 : memref<!tpu.dma_semaphore, #tpu.memory_space<semaphore_mem>>) src(%dma_wait3A_40 : memref<10409984xf32, #tpu.memory_space<hbm>>) dst(%dma_wait3A_36 : memref<128xf32, #tpu.memory_space<vmem>>)
    %dma_wait3A_41 = arith.constant 51840 : i32
    %dma_wait3A_42 = tpu.memref_slice %arg7[%dma_wait3A_41] : memref<53248xf32, #tpu.memory_space<vmem>> -> memref<128xf32, #tpu.memory_space<vmem>>
    %dma_wait3A_43 = arith.constant 51840 : i32
    %dma_wait3A_44 = tpu.memref_slice %arg6[%dma_wait3A_43] : memref<53248xi32, #tpu.memory_space<vmem>> -> memref<128xi32, #tpu.memory_space<vmem>>
    %dma_wait3A_45 = arith.constant 0 : i32
    %dma_wait3A_46 = tpu.memref_slice %arg2[%dma_wait3A_45] : memref<10409984xf32, #tpu.memory_space<hbm>> -> memref<10409984xf32, #tpu.memory_space<hbm>>
    tpu.wait_indirect_dma semaphore(%arg8 : memref<!tpu.dma_semaphore, #tpu.memory_space<semaphore_mem>>) src(%dma_wait3A_46 : memref<10409984xf32, #tpu.memory_space<hbm>>) dst(%dma_wait3A_42 : memref<128xf32, #tpu.memory_space<vmem>>)
    %dma_wait3A_47 = arith.constant 51968 : i32
    %dma_wait3A_48 = tpu.memref_slice %arg7[%dma_wait3A_47] : memref<53248xf32, #tpu.memory_space<vmem>> -> memref<128xf32, #tpu.memory_space<vmem>>
    %dma_wait3A_49 = arith.constant 51968 : i32
    %dma_wait3A_50 = tpu.memref_slice %arg6[%dma_wait3A_49] : memref<53248xi32, #tpu.memory_space<vmem>> -> memref<128xi32, #tpu.memory_space<vmem>>
    %dma_wait3A_51 = arith.constant 0 : i32
    %dma_wait3A_52 = tpu.memref_slice %arg2[%dma_wait3A_51] : memref<10409984xf32, #tpu.memory_space<hbm>> -> memref<10409984xf32, #tpu.memory_space<hbm>>
    tpu.wait_indirect_dma semaphore(%arg8 : memref<!tpu.dma_semaphore, #tpu.memory_space<semaphore_mem>>) src(%dma_wait3A_52 : memref<10409984xf32, #tpu.memory_space<hbm>>) dst(%dma_wait3A_48 : memref<128xf32, #tpu.memory_space<vmem>>)
    %dma_wait3A_53 = arith.constant 52096 : i32
    %dma_wait3A_54 = tpu.memref_slice %arg7[%dma_wait3A_53] : memref<53248xf32, #tpu.memory_space<vmem>> -> memref<128xf32, #tpu.memory_space<vmem>>
    %dma_wait3A_55 = arith.constant 52096 : i32
    %dma_wait3A_56 = tpu.memref_slice %arg6[%dma_wait3A_55] : memref<53248xi32, #tpu.memory_space<vmem>> -> memref<128xi32, #tpu.memory_space<vmem>>
    %dma_wait3A_57 = arith.constant 0 : i32
    %dma_wait3A_58 = tpu.memref_slice %arg2[%dma_wait3A_57] : memref<10409984xf32, #tpu.memory_space<hbm>> -> memref<10409984xf32, #tpu.memory_space<hbm>>
    tpu.wait_indirect_dma semaphore(%arg8 : memref<!tpu.dma_semaphore, #tpu.memory_space<semaphore_mem>>) src(%dma_wait3A_58 : memref<10409984xf32, #tpu.memory_space<hbm>>) dst(%dma_wait3A_54 : memref<128xf32, #tpu.memory_space<vmem>>)
    %dma_wait3A_59 = arith.constant 52224 : i32
    %dma_wait3A_60 = tpu.memref_slice %arg7[%dma_wait3A_59] : memref<53248xf32, #tpu.memory_space<vmem>> -> memref<128xf32, #tpu.memory_space<vmem>>
    %dma_wait3A_61 = arith.constant 52224 : i32
    %dma_wait3A_62 = tpu.memref_slice %arg6[%dma_wait3A_61] : memref<53248xi32, #tpu.memory_space<vmem>> -> memref<128xi32, #tpu.memory_space<vmem>>
    %dma_wait3A_63 = arith.constant 0 : i32
    %dma_wait3A_64 = tpu.memref_slice %arg2[%dma_wait3A_63] : memref<10409984xf32, #tpu.memory_space<hbm>> -> memref<10409984xf32, #tpu.memory_space<hbm>>
    tpu.wait_indirect_dma semaphore(%arg8 : memref<!tpu.dma_semaphore, #tpu.memory_space<semaphore_mem>>) src(%dma_wait3A_64 : memref<10409984xf32, #tpu.memory_space<hbm>>) dst(%dma_wait3A_60 : memref<128xf32, #tpu.memory_space<vmem>>)
    %dma_wait3A_65 = arith.constant 52352 : i32
    %dma_wait3A_66 = tpu.memref_slice %arg7[%dma_wait3A_65] : memref<53248xf32, #tpu.memory_space<vmem>> -> memref<128xf32, #tpu.memory_space<vmem>>
    %dma_wait3A_67 = arith.constant 52352 : i32
    %dma_wait3A_68 = tpu.memref_slice %arg6[%dma_wait3A_67] : memref<53248xi32, #tpu.memory_space<vmem>> -> memref<128xi32, #tpu.memory_space<vmem>>
    %dma_wait3A_69 = arith.constant 0 : i32
    %dma_wait3A_70 = tpu.memref_slice %arg2[%dma_wait3A_69] : memref<10409984xf32, #tpu.memory_space<hbm>> -> memref<10409984xf32, #tpu.memory_space<hbm>>
    tpu.wait_indirect_dma semaphore(%arg8 : memref<!tpu.dma_semaphore, #tpu.memory_space<semaphore_mem>>) src(%dma_wait3A_70 : memref<10409984xf32, #tpu.memory_space<hbm>>) dst(%dma_wait3A_66 : memref<128xf32, #tpu.memory_space<vmem>>)
    %dma_wait3A_71 = arith.constant 52480 : i32
    %dma_wait3A_72 = tpu.memref_slice %arg7[%dma_wait3A_71] : memref<53248xf32, #tpu.memory_space<vmem>> -> memref<128xf32, #tpu.memory_space<vmem>>
    %dma_wait3A_73 = arith.constant 52480 : i32
    %dma_wait3A_74 = tpu.memref_slice %arg6[%dma_wait3A_73] : memref<53248xi32, #tpu.memory_space<vmem>> -> memref<128xi32, #tpu.memory_space<vmem>>
    %dma_wait3A_75 = arith.constant 0 : i32
    %dma_wait3A_76 = tpu.memref_slice %arg2[%dma_wait3A_75] : memref<10409984xf32, #tpu.memory_space<hbm>> -> memref<10409984xf32, #tpu.memory_space<hbm>>
    tpu.wait_indirect_dma semaphore(%arg8 : memref<!tpu.dma_semaphore, #tpu.memory_space<semaphore_mem>>) src(%dma_wait3A_76 : memref<10409984xf32, #tpu.memory_space<hbm>>) dst(%dma_wait3A_72 : memref<128xf32, #tpu.memory_space<vmem>>)
    %dma_wait3A_77 = arith.constant 52608 : i32
    %dma_wait3A_78 = tpu.memref_slice %arg7[%dma_wait3A_77] : memref<53248xf32, #tpu.memory_space<vmem>> -> memref<128xf32, #tpu.memory_space<vmem>>
    %dma_wait3A_79 = arith.constant 52608 : i32
    %dma_wait3A_80 = tpu.memref_slice %arg6[%dma_wait3A_79] : memref<53248xi32, #tpu.memory_space<vmem>> -> memref<128xi32, #tpu.memory_space<vmem>>
    %dma_wait3A_81 = arith.constant 0 : i32
    %dma_wait3A_82 = tpu.memref_slice %arg2[%dma_wait3A_81] : memref<10409984xf32, #tpu.memory_space<hbm>> -> memref<10409984xf32, #tpu.memory_space<hbm>>
    tpu.wait_indirect_dma semaphore(%arg8 : memref<!tpu.dma_semaphore, #tpu.memory_space<semaphore_mem>>) src(%dma_wait3A_82 : memref<10409984xf32, #tpu.memory_space<hbm>>) dst(%dma_wait3A_78 : memref<128xf32, #tpu.memory_space<vmem>>)
    %dma_wait3A_83 = arith.constant 52736 : i32
    %dma_wait3A_84 = tpu.memref_slice %arg7[%dma_wait3A_83] : memref<53248xf32, #tpu.memory_space<vmem>> -> memref<128xf32, #tpu.memory_space<vmem>>
    %dma_wait3A_85 = arith.constant 52736 : i32
    %dma_wait3A_86 = tpu.memref_slice %arg6[%dma_wait3A_85] : memref<53248xi32, #tpu.memory_space<vmem>> -> memref<128xi32, #tpu.memory_space<vmem>>
    %dma_wait3A_87 = arith.constant 0 : i32
    %dma_wait3A_88 = tpu.memref_slice %arg2[%dma_wait3A_87] : memref<10409984xf32, #tpu.memory_space<hbm>> -> memref<10409984xf32, #tpu.memory_space<hbm>>
    tpu.wait_indirect_dma semaphore(%arg8 : memref<!tpu.dma_semaphore, #tpu.memory_space<semaphore_mem>>) src(%dma_wait3A_88 : memref<10409984xf32, #tpu.memory_space<hbm>>) dst(%dma_wait3A_84 : memref<128xf32, #tpu.memory_space<vmem>>)
    %dma_wait3A_89 = arith.constant 52864 : i32
    %dma_wait3A_90 = tpu.memref_slice %arg7[%dma_wait3A_89] : memref<53248xf32, #tpu.memory_space<vmem>> -> memref<128xf32, #tpu.memory_space<vmem>>
    %dma_wait3A_91 = arith.constant 52864 : i32
    %dma_wait3A_92 = tpu.memref_slice %arg6[%dma_wait3A_91] : memref<53248xi32, #tpu.memory_space<vmem>> -> memref<128xi32, #tpu.memory_space<vmem>>
    %dma_wait3A_93 = arith.constant 0 : i32
    %dma_wait3A_94 = tpu.memref_slice %arg2[%dma_wait3A_93] : memref<10409984xf32, #tpu.memory_space<hbm>> -> memref<10409984xf32, #tpu.memory_space<hbm>>
    tpu.wait_indirect_dma semaphore(%arg8 : memref<!tpu.dma_semaphore, #tpu.memory_space<semaphore_mem>>) src(%dma_wait3A_94 : memref<10409984xf32, #tpu.memory_space<hbm>>) dst(%dma_wait3A_90 : memref<128xf32, #tpu.memory_space<vmem>>)
    %dma_wait3A_95 = arith.constant 52992 : i32
    %dma_wait3A_96 = tpu.memref_slice %arg7[%dma_wait3A_95] : memref<53248xf32, #tpu.memory_space<vmem>> -> memref<128xf32, #tpu.memory_space<vmem>>
    %dma_wait3A_97 = arith.constant 52992 : i32
    %dma_wait3A_98 = tpu.memref_slice %arg6[%dma_wait3A_97] : memref<53248xi32, #tpu.memory_space<vmem>> -> memref<128xi32, #tpu.memory_space<vmem>>
    %dma_wait3A_99 = arith.constant 0 : i32
    %dma_wait3A_100 = tpu.memref_slice %arg2[%dma_wait3A_99] : memref<10409984xf32, #tpu.memory_space<hbm>> -> memref<10409984xf32, #tpu.memory_space<hbm>>
    tpu.wait_indirect_dma semaphore(%arg8 : memref<!tpu.dma_semaphore, #tpu.memory_space<semaphore_mem>>) src(%dma_wait3A_100 : memref<10409984xf32, #tpu.memory_space<hbm>>) dst(%dma_wait3A_96 : memref<128xf32, #tpu.memory_space<vmem>>)
    %dma_wait3A_101 = arith.constant 53120 : i32
    %dma_wait3A_102 = tpu.memref_slice %arg7[%dma_wait3A_101] : memref<53248xf32, #tpu.memory_space<vmem>> -> memref<128xf32, #tpu.memory_space<vmem>>
    %dma_wait3A_103 = arith.constant 53120 : i32
    %dma_wait3A_104 = tpu.memref_slice %arg6[%dma_wait3A_103] : memref<53248xi32, #tpu.memory_space<vmem>> -> memref<128xi32, #tpu.memory_space<vmem>>
    %dma_wait3A_105 = arith.constant 0 : i32
    %dma_wait3A_106 = tpu.memref_slice %arg2[%dma_wait3A_105] : memref<10409984xf32, #tpu.memory_space<hbm>> -> memref<10409984xf32, #tpu.memory_space<hbm>>
    tpu.wait_indirect_dma semaphore(%arg8 : memref<!tpu.dma_semaphore, #tpu.memory_space<semaphore_mem>>) src(%dma_wait3A_106 : memref<10409984xf32, #tpu.memory_space<hbm>>) dst(%dma_wait3A_102 : memref<128xf32, #tpu.memory_space<vmem>>)
    %mul3A_107 = arith.constant 4 : i32
    %mul3A_108 = arith.muli %mul3A_2, %mul3A_107 : i32
    %add3A_109 = arith.constant 51200 : i32
    %add3A_110 = arith.addi %mul3A_108, %add3A_109 : i32
    %dma_start3A = arith.constant 51200 : i32
    %dma_start3A_111 = tpu.memref_slice %arg7[%dma_start3A] : memref<53248xf32, #tpu.memory_space<vmem>> -> memref<2048xf32, #tpu.memory_space<vmem>>
    %dma_start3A_112 = tpu.memref_slice %arg4[%add3A_110] : memref<1703936xf32, #tpu.memory_space<hbm>> -> memref<2048xf32, #tpu.memory_space<hbm>>
    %dma_start3A_113 = tpu.memref_slice %arg4[%add3A_110] : memref<1703936xf32, #tpu.memory_space<hbm>> -> memref<2048xf32, #tpu.memory_space<hbm>>
    %dma_start3A_114 = arith.constant 51200 : i32
    %dma_start3A_115 = tpu.memref_slice %arg7[%dma_start3A_114] : memref<53248xf32, #tpu.memory_space<vmem>> -> memref<2048xf32, #tpu.memory_space<vmem>>
    tpu.enqueue_dma source(%dma_start3A_115 : memref<2048xf32, #tpu.memory_space<vmem>>) target(%dma_start3A_113 : memref<2048xf32, #tpu.memory_space<hbm>>) target_semaphore(%arg9 : memref<!tpu.dma_semaphore, #tpu.memory_space<semaphore_mem>>)
    %scan3A_116 = arith.constant 0 : i32
    %scan3A_117 = arith.constant 26 : i32
    %scan3A_118 = arith.addi %scan3A_116, %scan3A_117 : i32
    %scan3A_119 = arith.constant 1 : i32
    scf.for %scan3A_121 = %scan3A_116 to %scan3A_118 step %scan3A_119  : i32 {
      %mul3A_122 = arith.constant 1 : i32
      %mul3A_123 = arith.muli %scan3A_121, %mul3A_122 : i32
      %add3A_124 = arith.constant 0 : i32
      %add3A_125 = arith.addi %add3A_124, %mul3A_123 : i32
      %mul3A_126 = arith.constant 4 : i32
      %mul3A_127 = arith.muli %mul3A_2, %mul3A_126 : i32
      %dma_wait3A_128 = arith.constant 0 : i32
      %dma_wait3A_129 = tpu.memref_slice %arg7[%dma_wait3A_128] : memref<53248xf32, #tpu.memory_space<vmem>> -> memref<2048xf32, #tpu.memory_space<vmem>>
      %dma_wait3A_130 = tpu.memref_slice %arg4[%mul3A_127] : memref<1703936xf32, #tpu.memory_space<hbm>> -> memref<2048xf32, #tpu.memory_space<hbm>>
      %dma_wait3A_131 = tpu.memref_slice %arg4[%mul3A_127] : memref<1703936xf32, #tpu.memory_space<hbm>> -> memref<2048xf32, #tpu.memory_space<hbm>>
      %dma_wait3A_132 = arith.constant 0 : i32
      %dma_wait3A_133 = tpu.memref_slice %arg7[%dma_wait3A_132] : memref<53248xf32, #tpu.memory_space<vmem>> -> memref<2048xf32, #tpu.memory_space<vmem>>
      tpu.wait_dma2 semaphore(%arg9 : memref<!tpu.dma_semaphore, #tpu.memory_space<semaphore_mem>>) src(%dma_wait3A_133 : memref<2048xf32, #tpu.memory_space<vmem>>) dst(%dma_wait3A_131 : memref<2048xf32, #tpu.memory_space<hbm>>)
    }
    %scan3A_120 = arith.constant 26 : i32
    return
  }
}

</mosaic_0001>

<sc_bundles>
// kernel: kernel.3.cloned.1.call-start
scs
__scs_entry_jumppad:
0x0: {  	(pc) =	sbr.rel $0x88, $3  }
0x1: {  	(tag) =	ssettag $0x0;
	lr =	simm.s32 $0x1  }
0x2: {  	[smem:$0x3F9F] =	sst lr;
	_ =	strace $0xD0000000  }
0x3: {  	_ = 	snop  }
0x4: {  	_ = 	snop  }
0x5: {  	_ = 	snop  }
0x6: {  	_ = 	snop  }
0x7: {  	_ = 	snop  }
__scs_overlays_trampoline_lowered:
0x8: {  	[smem:$0x3FAE] =	sst s0  }
0x9: {  	[smem:$0x3FAF] =	sst s1  }
0xa: {  	[smem:$0x3FB0] =	sst s2  }
0xb: {  	[smem:$0x3FB1] =	sst s3  }
0xc: {  	[smem:$0x3FB2] =	sst s4  }
0xd: {  	[smem:$0x3FB3] =	sst s5  }
0xe: {  	[smem:$0x3FB4] =	sst s6  }
0xf: {  	[smem:$0x3FB5] =	sst s7  }
0x10: {  	[smem:$0x3FB6] =	sst s8  }
0x11: {  	[smem:$0x3FB7] =	sst s9;
	s0 =	simm.s32 @!p0 $0x0  }
0x12: {  	s1 =	sld [smem:$0x3F9D];
	s0 =	simm.s32 @p0 $0x1  }
0x13: {  	[smem:$0x3FB8] =	sst s0;
	s0 =	simm.s32 @!p1 $0x0  }
0x14: {  	s2 =	sld [smem:$0x3F9C];
	s0 =	simm.s32 @p1 $0x1  }
0x15: {  	[smem:$0x3FB9] =	sst s0;
	s0 =	simm.s32 @!p2 $0x0  }
0x16: {  	s3 =	sld [smem:$0x3FDB];
	s0 =	simm.s32 @p2 $0x1  }
0x17: {  	s4 =	simm.s32 $0x1BF5;
	[smem:$0x3FBB] =	sst s0  }
0x18: {  	s0 =	sld [smem:$0x3F9E];
	_ =	swait.ge [sflag:s4], $0x0  }
0x19: {  	s7 =	sld [smem:$0x3F9F]  }
0x1a: {  	s8 =	sadd.s32 $0xFFFFE003, lr  }
0x1b: {  	s9 =	sadd.s32 $0xFFFFFEF7, lr;
	s5 =	simm.s32 $0xFFFFFFFF;
	p2 =	slt.u32 s8, $0xFFFFF086  }
0x1c: {  	p1 =	slt.u32 s9, $0xF7A;
	s5 =	simm.s32 @!p2 $0x0  }
0x1d: {  	s5 =	simm.s32 @p1 $0x1;
	p0 =	seq.s32 s7, s2  }
0x1e: {  	s7 =	smul.u32 @!p0 $0xF7A, s2;
	p2 =	seq.s32 @!p0 s5, $0x0  }
0x1f: {  	s9 =	smul.u32 $0xF7A, s1;
	s8 =	simm.s32 @!p0 $0x1BF5;
	p2 =	por !p2, p0  }
0x20: {  	[sflag:s8] =	ssyncset.s32 @!p0 $0xFFFFF086;
	s6 =	sadd.s32 @!p0 s3, s7;
	s7 =	simm.s32 @!p0 $0x108  }
0x21: {  	s3 =	sadd.s32 s3, s9;
	s6 =	sadd.s32 @!p0 $0x88, s6;
	s7 =	simm.s32 @p2 $0x1082  }
0x22: {  	[simem:s7], [sflag:s8] =	dma.local @!p0 [hbm:s6], $0xF7A  }
0x23: {  	s9 =	sor.u32 $0xD0000000, s2;
	s6 =	simm.s32 $0x108;
	_ =	swait.ge @!p0 [sflag:s8], $0x0  }
0x24: {  	s3 =	sadd.s32 $0x88, s3;
	s6 =	simm.s32 @!p1 $0x1082;
	[sflag:s4] =	ssyncset.s32 $0xFFFFF086  }
0x25: {  	[simem:s6], [sflag:s4] =	dma.local [hbm:s3], $0xF7A  }
0x26: {  	[smem:$0x3F9F] =	sst s1;
	(tag) =	ssettag s2;
	_ =	strace s9  }
0x27: {  	s1 =	sld [smem:$0x3FAF]  }
0x28: {  	s2 =	sld [smem:$0x3FB0]  }
0x29: {  	s4 =	sld [smem:$0x3FB2]  }
0x2a: {  	p0 =	seq.s32 s5, $0x0;
	s5 =	sld [smem:$0x3FB3]  }
0x2b: {  	s6 =	sld [smem:$0x3FB4]  }
0x2c: {  	s7 =	sld [smem:$0x3FB5]  }
0x2d: {  	s3 =	simm.s32 $0x108;
	s8 =	sld [smem:$0x3FB6]  }
0x2e: {  	s3 =	simm.s32 @!p0 $0x1082;
	s9 =	sld [smem:$0x3FB7]  }
0x2f: {  	lr =	sadd.s32 s0, s3;
	s0 =	sld [smem:$0x3FAE]  }
0x30: {  	s3 =	sld [smem:$0x3FB1]  }
0x31: {  	[smem:$0x3FBA] =	sst s10  }
0x32: {  	s10 =	sld [smem:$0x3FB8];
	_ =	sdelay $0x3  }
0x33: {  	p0 =	seq.s32 s10, $0x1;
	s10 =	sld [smem:$0x3FBA];
	_ =	sdelay $0x3  }
0x34: {  	[smem:$0x3FBA] =	sst s10  }
0x35: {  	s10 =	sld [smem:$0x3FB9];
	_ =	sdelay $0x3  }
0x36: {  	p1 =	seq.s32 s10, $0x1;
	s10 =	sld [smem:$0x3FBA];
	_ =	sdelay $0x3  }
0x37: {  	[smem:$0x3FBA] =	sst s10  }
0x38: {  	s10 =	sld [smem:$0x3FBB]  }
0x39: {  	_ = 	snop;
	(pc) =	sbr.ind lr, $3  }
0x3a: {  	_ = 	snop  }
0x3b: {  	_ = 	snop  }
0x3c: {  	p2 =	seq.s32 s10, $0x1;
	s10 =	sld [smem:$0x3FBA]  }
0x3d: {  	_ =	shalt  }
0x3e: {  	_ =	shalt  }
0x3f: {  	_ =	shalt  }
0x40: {  	_ =	shalt  }
0x41: {  	_ =	shalt  }
0x42: {  	_ =	shalt  }
0x43: {  	_ =	shalt  }
0x44: {  	_ =	shalt  }
0x45: {  	_ =	shalt  }
0x46: {  	_ =	shalt  }
0x47: {  	_ =	shalt  }
0x48: {  	_ =	shalt  }
0x49: {  	_ =	shalt  }
0x4a: {  	_ =	shalt  }
0x4b: {  	_ =	shalt  }
0x4c: {  	_ =	shalt  }
0x4d: {  	_ =	shalt  }
0x4e: {  	_ =	shalt  }
0x4f: {  	_ =	shalt  }
0x50: {  	_ =	shalt  }
0x51: {  	_ =	shalt  }
0x52: {  	_ =	shalt  }
0x53: {  	_ =	shalt  }
0x54: {  	_ =	shalt  }
0x55: {  	_ =	shalt  }
0x56: {  	_ =	shalt  }
0x57: {  	_ =	shalt  }
0x58: {  	_ =	shalt  }
0x59: {  	_ =	shalt  }
0x5a: {  	_ =	shalt  }
0x5b: {  	_ =	shalt  }
0x5c: {  	_ =	shalt  }
0x5d: {  	_ =	shalt  }
0x5e: {  	_ =	shalt  }
0x5f: {  	_ =	shalt  }
0x60: {  	_ =	shalt  }
0x61: {  	_ =	shalt  }
0x62: {  	_ =	shalt  }
0x63: {  	_ =	shalt  }
0x64: {  	_ =	shalt  }
0x65: {  	_ =	shalt  }
0x66: {  	_ =	shalt  }
0x67: {  	_ =	shalt  }
0x68: {  	_ =	shalt  }
0x69: {  	_ =	shalt  }
0x6a: {  	_ =	shalt  }
0x6b: {  	_ =	shalt  }
0x6c: {  	_ =	shalt  }
0x6d: {  	_ =	shalt  }
0x6e: {  	_ =	shalt  }
0x6f: {  	_ =	shalt  }
0x70: {  	_ =	shalt  }
0x71: {  	_ =	shalt  }
0x72: {  	_ =	shalt  }
0x73: {  	_ =	shalt  }
0x74: {  	_ =	shalt  }
0x75: {  	_ =	shalt  }
0x76: {  	_ =	shalt  }
0x77: {  	_ =	shalt  }
0x78: {  	_ =	shalt  }
0x79: {  	_ =	shalt  }
0x7a: {  	_ =	shalt  }
0x7b: {  	_ =	shalt  }
0x7c: {  	_ =	shalt  }
0x7d: {  	_ =	shalt  }
0x7e: {  	_ =	shalt  }
0x7f: {  	_ =	shalt  }
0x80: {  	_ =	shalt  }
0x81: {  	_ =	shalt  }
0x82: {  	_ =	shalt  }
0x83: {  	_ =	shalt  }
0x84: {  	_ =	shalt  }
0x85: {  	_ =	shalt  }
0x86: {  	_ =	shalt  }
0x87: {  	_ =	shalt  }
.Lfunc_end0:
.L_simem_size_0:
called_computation.1_lowered:
.L_overlay_start_0:
0x88: {  	s2 =	sld [smem:$0x3FD9]  }
0x89: {  	s3 =	sld [smem:$0x3FFE];
	_ =	sdelay $0x1  }
0x8a: {  	s1 =	srdreg.scid  }
0x8b: {  	s0 =	sand.u32 $0x1, s1  }
0x8c: {  	s17 =	sshll.u32 s0, $0xA;
	s2 =	sadd.s32 s3, s2  }
0x8d: {  	s2 =	sadd.s32 s2, s17  }
0x8e: {  	[smem:$0x3FC6] =	sst s2  }
0x8f: {  	_ = 	snop  }
0x90: {  	s2 =	sld [smem:$0x3FD0];
	(tm) =	ssettm $0x1  }
0x91: {  	s18 =	sld [smem:$0x3FFB];
	_ =	sdelay $0x3  }
0x92: {  	_ =	strace s18  }
0x93: {  	s3 =	sld [smem:$0x3FFC];
	_ =	sdelay $0x3  }
0x94: {  	_ =	strace s3  }
0x95: {  	s3 =	sld [smem:$0x3FFD];
	_ =	sdelay $0x3  }
0x96: {  	_ =	strace s3  }
0x97: {  	_ =	strace $0x8FFFFFFF  }
0x98: {  	s19 =	sld [smem:$0x3FDB];
	_ =	sdelay $0x1  }
0x99: {  	s4 =	simm.s32 $_scs_section_size  }
0x9a: {  	s5 =	simm.s32 $_size__tile_overlayer_lowered;
	s6 =	simm.s32 $_tile_overlayer_lowered  }
0x9b: {  	s22 =	simm.s32 $0x1BFF;
	s21 =	sshll.u32 s6, $0x1;
	s3 =	sadd.s32 s4, s19  }
0x9c: {  	s7 =	simm.s32 $0x0;
	s20 =	sshll.u32 s5, $0x1;
	s5 =	sadd.s32 s21, s3  }
0x9d: {  	[timem:s7], [sflag:s22] =	dma.local [hbm:s5], s20  }
0x9e: {  	_ =	swait.ge [sflag:s22], s20  }
0x9f: {  	s4 =	ssub.s32 $0x0, s20;
	[sflag:s22] =	ssyncset.done $0x0  }
0xa0: {  	[sflag:s22] =	ssyncadd.s32 s4;
	_ =	sdelay $0x1  }
0xa1: {  	s23 =	simm.s32 $0x1B8B  }
0xa2: {  	_ =	swait.ge [sflag:s23], $0x1  }
0xa3: {  	[sflag:s23] =	ssyncset.done $0x0  }
0xa4: {  	s25 =	simm.s32 $0x1B8E;
	s24 =	sld [smem:$0x3FFE];
	[sflag:s23] =	ssyncadd.s32 $0xFFFFFFFF  }
0xa5: {  	s26 =	simm.s32 $execute0_lowered;
	[smem:$0x3FD2] =	sst s25  }
0xa6: {  	s5 =	sshll.u32 s26, $0x1;
	_ =	strace $0x80000049;
	[dreg:$0x1] =	wrdreg $0xFFFFFFFF  }
0xa7: {  	s28 =	simm.s32 $_size_execute0_lowered;
	s3 =	sadd.s32 s3, s5;
	[dreg:$0x0] =	wrdreg $0x0  }
0xa8: {  	s5 =	sshll.u32 s28, $0x1;
	[dreg:$0x2] =	wrdreg s3  }
0xa9: {  	[dreg:$0x3] =	wrdreg s5  }
0xaa: {  	[dreg:$0x4] =	wrdreg $0xC0  }
0xab: {  	_ =	task [dreg:s7], $0x5FFFF  }
0xac: {  	[dreg:$0x1] =	wrdreg $0xFFFFFFFF  }
0xad: {  	[dreg:$0x0] =	wrdreg $0x60  }
0xae: {  	[dreg:$0x2] =	wrdreg s24  }
0xaf: {  	[dreg:$0x3] =	wrdreg s2  }
0xb0: {  	[dreg:$0x4] =	wrdreg $0x9  }
0xb1: {  	_ =	task.clear_ibuf [dreg:s7], $0x5FFFF;
	_ =	strace $0x90000049  }
0xb2: {  	s29 =	simm.s32 $0x9;
	_ =	strace $0x8000004B  }
0xb3: {  	_ =	swait.ge [sflag:s29], $0x1  }
0xb4: {  	[sflag:s29] =	ssyncadd.s32 $0xFFFFFFFF  }
0xb5: {  	_ =	strace $0x9000004B  }
0xb6: {  	_ =	sfence  }
0xb7: {  	s30 =	sld [smem:$0x0];
	_ =	sdelay $0x2  }
0xb8: {  	s31 =	sshll.u32 s1, $0xD;
	s1 =	sshrl.u32 s1, $0x2  }
0xb9: {  	s3 =	sand.u32 $0x4000, s31;
	s1 =	sadd.s32 s1, s30  }
0xba: {  	s0 =	sor.u32 s3, s0;
	s1 =	sshll.u32 s1, $0x11  }
0xbb: {  	s0 =	sor.u32 s1, s0  }
0xbc: {  	s0 =	sadd.s32 $0x8F2B, s0  }
0xbd: {  	[sflag:s0] =	ssyncadd.remote.s32 $0x1  }
0xbe: {  	_ =	sfence.sel $0xFFFF  }
0xbf: {  	[dreg:$0x0] =	wrdreg $0xFFFFFFFF;
	(pc) =	sbr.abs _section_cstart, $3  }
0xc0: {  	[dreg:$0x1] =	wrdreg $0xFFFFFFFF  }
0xc1: {  	_ =	task.clear_ibuf [dreg:s7], $0x2FFFF;
	_ =	strace $0x9FFFFFFF  }
0xc2: {  	(tm) =	ssettm $0x7FFFFFFF  }
0xc3: {  	_ =	shalt  }
tec
execute0_lowered:
.L_overlay_start_1:
0x0: {  	(tag) =	ssettag $0x1  }
0x1: {  	s1 =	srdreg.scid;
	s6 =	rddreg [dreg:$0x0]  }
0x2: {  	s0 =	stileid.u32;
	s2 =	rddreg [dreg:$0x1]  }
0x3: {  	s3 =	simm.s32 $0x0;
	s7 =	sand.u32 $0x1, s1;
	s29 =	sshll.u32 s0, $0x1  }
0x4: {  	s10 =	simm.s32 $0x3400;
	s11 =	simm.s32 $0x80;
	s4 =	sor.u32 s7, s29  }
0x5: {  	s12 =	simm.s32 $0x1;
	s13 =	simm.s32 $0x1CC00;
	s8 =	smul.u32 $0x680, s4  }
0x6: {  	s14 =	simm.s32 $0x2;
	s1 =	rddreg [dreg:$0x2];
	s4 =	smul.u32 $0xD000, s4  }
.Ltmp0:
0x7: {  	v0 =	vlaneseq.u32;
	s15 =	simm.s32 $0x0;
	[smem:$0x7FF] =	sst s3;
	(pc) =	sbr.rel .LBB2_1-.Ltmp0, $4  }
0x8: {  	s5 =	sadd.s32 $0xC00, s6;
	v1 =	vand.u32 $0x1, v0;
	v0 =	vmul.u32 $0x4, v0;
	_ =	strace $0x8000004A;
	s7 =	ssub.s32 $0x2, s7  }
0x9: {  	v1 =	vmul.u32 $0x4, v1;
	s30 =	sshrl.u32 s7, $0x1;
	s6 =	sadd.s32 s8, s6;
	s9 =	sshrl.u32 s4, $0x3  }
0xa: {  	v2 =	vor.u32 $0x1, v0;
	s8 =	ssub.s32 s7, s30;
	s6 =	sadd.s32 $0x27D000, s6;
	s31 =	sadd.s32 s2, s9  }
0xb: {  	v3 =	vor.u32 $0x2, v0;
	v4 =	vor.u32 $0x3, v0;
	v1 =	vor.u32 $0xFFFFFFF8, v1;
	s8 =	smax.u32 s8, $0x1;
	s9 =	simm.s32 $0x3;
	s7 =	sadd.s32 $0x1900, s31  }
.LBB2_10:
0xc: {  	_ =	swait.ge [sflag:s12], $0x80  }
0xd: {  	[sflag:s12] =	ssyncset.done $0x0  }
0xe: {  	[sflag:s12] =	ssyncadd.s32 $0xFFFFFF80  }
0xf: {  	_ =	swait.ge [sflag:s12], $0x80  }
0x10: {  	[sflag:s12] =	ssyncset.done $0x0  }
0x11: {  	[sflag:s12] =	ssyncadd.s32 $0xFFFFFF80  }
0x12: {  	_ =	swait.ge [sflag:s12], $0x80  }
0x13: {  	[sflag:s12] =	ssyncset.done $0x0  }
0x14: {  	[sflag:s12] =	ssyncadd.s32 $0xFFFFFF80  }
0x15: {  	_ =	swait.ge [sflag:s12], $0x80  }
0x16: {  	[sflag:s12] =	ssyncset.done $0x0  }
0x17: {  	[sflag:s12] =	ssyncadd.s32 $0xFFFFFF80  }
0x18: {  	_ =	swait.ge [sflag:s12], $0x80  }
0x19: {  	[sflag:s12] =	ssyncset.done $0x0  }
0x1a: {  	[sflag:s12] =	ssyncadd.s32 $0xFFFFFF80  }
0x1b: {  	_ =	swait.ge [sflag:s12], $0x80  }
0x1c: {  	[sflag:s12] =	ssyncset.done $0x0  }
0x1d: {  	[sflag:s12] =	ssyncadd.s32 $0xFFFFFF80  }
0x1e: {  	_ =	swait.ge [sflag:s12], $0x80  }
0x1f: {  	[sflag:s12] =	ssyncset.done $0x0  }
0x20: {  	[sflag:s12] =	ssyncadd.s32 $0xFFFFFF80  }
0x21: {  	_ =	swait.ge [sflag:s12], $0x80  }
0x22: {  	[sflag:s12] =	ssyncset.done $0x0  }
0x23: {  	[sflag:s12] =	ssyncadd.s32 $0xFFFFFF80  }
0x24: {  	_ =	swait.ge [sflag:s12], $0x80  }
0x25: {  	[sflag:s12] =	ssyncset.done $0x0  }
0x26: {  	[sflag:s12] =	ssyncadd.s32 $0xFFFFFF80  }
0x27: {  	_ =	swait.ge [sflag:s12], $0x80  }
0x28: {  	[sflag:s12] =	ssyncset.done $0x0  }
0x29: {  	[sflag:s12] =	ssyncadd.s32 $0xFFFFFF80  }
0x2a: {  	_ =	swait.ge [sflag:s12], $0x80  }
0x2b: {  	[sflag:s12] =	ssyncset.done $0x0  }
0x2c: {  	[sflag:s12] =	ssyncadd.s32 $0xFFFFFF80  }
0x2d: {  	_ =	swait.ge [sflag:s12], $0x80  }
0x2e: {  	[sflag:s12] =	ssyncset.done $0x0  }
0x2f: {  	[sflag:s12] =	ssyncadd.s32 $0xFFFFFF80  }
0x30: {  	_ =	swait.ge [sflag:s12], $0x80  }
0x31: {  	[sflag:s12] =	ssyncset.done $0x0  }
0x32: {  	[sflag:s12] =	ssyncadd.s32 $0xFFFFFF80  }
0x33: {  	_ =	swait.ge [sflag:s12], $0x80  }
0x34: {  	[sflag:s12] =	ssyncset.done $0x0  }
0x35: {  	[sflag:s12] =	ssyncadd.s32 $0xFFFFFF80  }
0x36: {  	_ =	swait.ge [sflag:s12], $0x80  }
0x37: {  	[sflag:s12] =	ssyncset.done $0x0  }
0x38: {  	[sflag:s12] =	ssyncadd.s32 $0xFFFFFF80  }
0x39: {  	_ =	swait.ge [sflag:s12], $0x80  }
0x3a: {  	[sflag:s12] =	ssyncset.done $0x0  }
0x3b: {  	[sflag:s12] =	ssyncadd.s32 $0xFFFFFF80  }
0x3c: {  	[hbm4b:s7+s3] =	stream.linear.scatter [tilespmem:s13], [sflag:$0x2], $0x800, $0x38;
	[tilespmem:$0x1D400] =	vst v63  }
0x3d: {  	_ =	swait.ge [sflag:s14], $0x800  }
0x3e: {  	[sflag:s14] =	ssyncset.done $0x0  }
0x3f: {  	[sflag:s14] =	ssyncadd.s32 $0xFFFFF800  }
0x40: {  	_ =	swait.ge [sflag:s14], $0x800  }
0x41: {  	[sflag:s14] =	ssyncset.done $0x0  }
0x42: {  	[sflag:s14] =	ssyncadd.s32 $0xFFFFF800  }
0x43: {  	_ =	swait.ge [sflag:s14], $0x800  }
0x44: {  	[sflag:s14] =	ssyncset.done $0x0  }
0x45: {  	[sflag:s14] =	ssyncadd.s32 $0xFFFFF800  }
0x46: {  	_ =	swait.ge [sflag:s14], $0x800  }
0x47: {  	[sflag:s14] =	ssyncset.done $0x0  }
0x48: {  	[sflag:s14] =	ssyncadd.s32 $0xFFFFF800  }
0x49: {  	_ =	swait.ge [sflag:s14], $0x800  }
0x4a: {  	[sflag:s14] =	ssyncset.done $0x0  }
0x4b: {  	[sflag:s14] =	ssyncadd.s32 $0xFFFFF800  }
0x4c: {  	_ =	swait.ge [sflag:s14], $0x800  }
0x4d: {  	[sflag:s14] =	ssyncset.done $0x0  }
0x4e: {  	[sflag:s14] =	ssyncadd.s32 $0xFFFFF800  }
0x4f: {  	_ =	swait.ge [sflag:s14], $0x800  }
0x50: {  	[sflag:s14] =	ssyncset.done $0x0  }
0x51: {  	[sflag:s14] =	ssyncadd.s32 $0xFFFFF800  }
0x52: {  	_ =	swait.ge [sflag:s14], $0x800  }
0x53: {  	[sflag:s14] =	ssyncset.done $0x0  }
0x54: {  	[sflag:s14] =	ssyncadd.s32 $0xFFFFF800  }
0x55: {  	_ =	swait.ge [sflag:s14], $0x800  }
0x56: {  	[sflag:s14] =	ssyncset.done $0x0  }
0x57: {  	[sflag:s14] =	ssyncadd.s32 $0xFFFFF800  }
0x58: {  	_ =	swait.ge [sflag:s14], $0x800  }
0x59: {  	[sflag:s14] =	ssyncset.done $0x0  }
0x5a: {  	[sflag:s14] =	ssyncadd.s32 $0xFFFFF800  }
0x5b: {  	_ =	swait.ge [sflag:s14], $0x800  }
0x5c: {  	[sflag:s14] =	ssyncset.done $0x0  }
0x5d: {  	[sflag:s14] =	ssyncadd.s32 $0xFFFFF800  }
0x5e: {  	_ =	swait.ge [sflag:s14], $0x800  }
0x5f: {  	[sflag:s14] =	ssyncset.done $0x0  }
0x60: {  	[sflag:s14] =	ssyncadd.s32 $0xFFFFF800  }
0x61: {  	_ =	swait.ge [sflag:s14], $0x800  }
0x62: {  	[sflag:s14] =	ssyncset.done $0x0  }
0x63: {  	[sflag:s14] =	ssyncadd.s32 $0xFFFFF800  }
0x64: {  	_ =	swait.ge [sflag:s14], $0x800  }
0x65: {  	[sflag:s14] =	ssyncset.done $0x0  }
0x66: {  	[sflag:s14] =	ssyncadd.s32 $0xFFFFF800  }
0x67: {  	_ =	swait.ge [sflag:s14], $0x800  }
0x68: {  	[sflag:s14] =	ssyncset.done $0x0  }
0x69: {  	[sflag:s14] =	ssyncadd.s32 $0xFFFFF800  }
0x6a: {  	_ =	swait.ge [sflag:s14], $0x800  }
0x6b: {  	[sflag:s14] =	ssyncset.done $0x0  }
0x6c: {  	[sflag:s14] =	ssyncadd.s32 $0xFFFFF800  }
0x6d: {  	_ =	swait.ge [sflag:s14], $0x800  }
0x6e: {  	[sflag:s14] =	ssyncset.done $0x0  }
0x6f: {  	[sflag:s14] =	ssyncadd.s32 $0xFFFFF800  }
0x70: {  	_ =	swait.ge [sflag:s14], $0x800  }
0x71: {  	[sflag:s14] =	ssyncset.done $0x0  }
0x72: {  	[sflag:s14] =	ssyncadd.s32 $0xFFFFF800  }
0x73: {  	_ =	swait.ge [sflag:s14], $0x800  }
0x74: {  	[sflag:s14] =	ssyncset.done $0x0  }
0x75: {  	[sflag:s14] =	ssyncadd.s32 $0xFFFFF800  }
0x76: {  	_ =	swait.ge [sflag:s14], $0x800  }
0x77: {  	[sflag:s14] =	ssyncset.done $0x0  }
0x78: {  	[sflag:s14] =	ssyncadd.s32 $0xFFFFF800  }
0x79: {  	_ =	swait.ge [sflag:s14], $0x800  }
0x7a: {  	[sflag:s14] =	ssyncset.done $0x0  }
0x7b: {  	[sflag:s14] =	ssyncadd.s32 $0xFFFFF800  }
0x7c: {  	_ =	swait.ge [sflag:s14], $0x800  }
0x7d: {  	[sflag:s14] =	ssyncset.done $0x0  }
0x7e: {  	[sflag:s14] =	ssyncadd.s32 $0xFFFFF800  }
0x7f: {  	_ =	swait.ge [sflag:s14], $0x800  }
0x80: {  	[sflag:s14] =	ssyncset.done $0x0  }
0x81: {  	[sflag:s14] =	ssyncadd.s32 $0xFFFFF800  }
0x82: {  	_ =	swait.ge [sflag:s14], $0x800  }
0x83: {  	[sflag:s14] =	ssyncset.done $0x0  }
0x84: {  	s15 =	sadd.s32 $0x1, s15;
	[sflag:s14] =	ssyncadd.s32 $0xFFFFF800  }
0x85: {  	p0 =	sne.s32 s15, s8;
	_ =	swait.ge [sflag:s14], $0x800  }
.Ltmp1:
0x86: {  	[sflag:s14] =	ssyncset.done $0x0;
	(pc) =	sbr.rel @!p0 .LBB2_11-.Ltmp1, $4  }
0x87: {  	[sflag:s14] =	ssyncadd.s32 $0xFFFFF800  }
0x88: {  	_ =	swait.ge [sflag:s14], $0x800  }
0x89: {  	[sflag:s14] =	ssyncset.done $0x0  }
0x8a: {  	[sflag:s14] =	ssyncadd.s32 $0xFFFFF800  }
.LBB2_1:
0x8b: {  	[tilespmem:s3], [sflag:$0x3] =	stream.linear.gather [hbm4b:s6+s3], $0x3400, $0x38;
	[tilespmem:$0x1D400] =	vst v63  }
0x8c: {  	_ =	swait.ge [sflag:s9], $0x3400  }
0x8d: {  	[sflag:s9] =	ssyncset.done $0x0  }
0x8e: {  	s16 =	simm.s32 $0x0;
	v6 =	vor.u32 s3, v0;
	[sflag:s9] =	ssyncadd.s32 $0xFFFFCC00  }
0x8f: {  	v7 =	vand.u32 v1, v6;
	v5 =	vld [tilespmem:s16+$0x0]  }
0x90: {  	s17 =	simm.s32 $0x40;
	v6 =	vor.u32 s3, v2;
	s16 =	simm.s32 $0x0  }
.LBB2_2:
0x91: {  	p0 =	sne.s32 s17, $0x7C0;
	v8 =	vor.u32 s16, v3  }
0x92: {  	v9 =	vor.u32 s16, v4;
	s16 =	smov.u32 s17;
	_ =	sdelay $0x1  }
0x93: {  	[tilespmem:v7+s10+$0x0] =	vst.idx.msk $0xffff, v5;
	v7 =	vadd.s32 $0x80, v5  }
.Ltmp2:
0x94: {  	[tilespmem:v6+s10+$0x0] =	vst.idx.msk $0xffff, v7;
	v6 =	vadd.s32 $0x100, v5;
	(pc) =	sbr.rel @p0 .LBB2_2-.Ltmp2, $4  }
0x95: {  	v5 =	vadd.s32 $0x180, v5;
	[tilespmem:v8+s10+$0x0] =	vst.idx.msk $0xffff, v6  }
0x96: {  	s18 =	sshra.s32 s17, $0x2;
	v6 =	vor.u32 s17, v0;
	[tilespmem:v9+s10+$0x0] =	vst.idx.msk $0xffff, v5  }
0x97: {  	v7 =	vand.u32 v1, v6;
	v5 =	vld [tilespmem:s18+$0x0]  }
0x98: {  	s17 =	sadd.s32 $0x40, s17;
	v6 =	vor.u32 s16, v2  }
0x99: {  	_ = 	snop  }
0x9a: {  	v8 =	vor.u32 s16, v3  }
0x9b: {  	v9 =	vor.u32 s16, v4  }
.Ltmp3:
0x9c: {  	_ = 	snop;
	(pc) =	sbr.rel .LBB2_4-.Ltmp3, $4  }
0x9d: {  	[tilespmem:v7+s10+$0x0] =	vst.idx.msk $0xffff, v5;
	v7 =	vadd.s32 $0x80, v5  }
0x9e: {  	[tilespmem:v6+s10+$0x0] =	vst.idx.msk $0xffff, v7;
	v6 =	vadd.s32 $0x100, v5  }
0x9f: {  	s16 =	simm.s32 $0x0;
	v5 =	vadd.s32 $0x180, v5;
	[tilespmem:v8+s10+$0x0] =	vst.idx.msk $0xffff, v6  }
0xa0: {  	s17 =	simm.s32 $0x800;
	s18 =	simm.s32 $0x200;
	s19 =	simm.s32 $0x0;
	[tilespmem:v9+s10+$0x0] =	vst.idx.msk $0xffff, v5  }
.LBB2_8:
0xa1: {  	_ =	swait.ge [sflag:s12], $0x80  }
0xa2: {  	[sflag:s12] =	ssyncset.done $0x0  }
0xa3: {  	[sflag:s12] =	ssyncadd.s32 $0xFFFFFF80  }
0xa4: {  	_ =	swait.ge [sflag:s12], $0x80  }
0xa5: {  	[sflag:s12] =	ssyncset.done $0x0  }
0xa6: {  	[sflag:s12] =	ssyncadd.s32 $0xFFFFFF80  }
0xa7: {  	_ =	swait.ge [sflag:s12], $0x80  }
0xa8: {  	[sflag:s12] =	ssyncset.done $0x0  }
0xa9: {  	[sflag:s12] =	ssyncadd.s32 $0xFFFFFF80  }
0xaa: {  	_ =	swait.ge [sflag:s12], $0x80  }
0xab: {  	[sflag:s12] =	ssyncset.done $0x0  }
0xac: {  	[sflag:s12] =	ssyncadd.s32 $0xFFFFFF80  }
0xad: {  	_ =	swait.ge [sflag:s12], $0x80  }
0xae: {  	[sflag:s12] =	ssyncset.done $0x0  }
0xaf: {  	[sflag:s12] =	ssyncadd.s32 $0xFFFFFF80  }
0xb0: {  	_ =	swait.ge [sflag:s12], $0x80  }
0xb1: {  	[sflag:s12] =	ssyncset.done $0x0  }
0xb2: {  	[sflag:s12] =	ssyncadd.s32 $0xFFFFFF80  }
0xb3: {  	_ =	swait.ge [sflag:s12], $0x80  }
0xb4: {  	[sflag:s12] =	ssyncset.done $0x0  }
0xb5: {  	[sflag:s12] =	ssyncadd.s32 $0xFFFFFF80  }
0xb6: {  	_ =	swait.ge [sflag:s12], $0x80  }
0xb7: {  	[sflag:s12] =	ssyncset.done $0x0  }
0xb8: {  	[sflag:s12] =	ssyncadd.s32 $0xFFFFFF80  }
0xb9: {  	_ =	swait.ge [sflag:s12], $0x80  }
0xba: {  	[sflag:s12] =	ssyncset.done $0x0  }
0xbb: {  	[sflag:s12] =	ssyncadd.s32 $0xFFFFFF80  }
0xbc: {  	_ =	swait.ge [sflag:s12], $0x80  }
0xbd: {  	[sflag:s12] =	ssyncset.done $0x0  }
0xbe: {  	[sflag:s12] =	ssyncadd.s32 $0xFFFFFF80  }
0xbf: {  	_ =	swait.ge [sflag:s12], $0x80  }
0xc0: {  	[sflag:s12] =	ssyncset.done $0x0  }
0xc1: {  	[sflag:s12] =	ssyncadd.s32 $0xFFFFFF80  }
0xc2: {  	_ =	swait.ge [sflag:s12], $0x80  }
0xc3: {  	[sflag:s12] =	ssyncset.done $0x0  }
0xc4: {  	[sflag:s12] =	ssyncadd.s32 $0xFFFFFF80  }
0xc5: {  	_ =	swait.ge [sflag:s12], $0x80  }
0xc6: {  	[sflag:s12] =	ssyncset.done $0x0  }
0xc7: {  	[sflag:s12] =	ssyncadd.s32 $0xFFFFFF80  }
0xc8: {  	_ =	swait.ge [sflag:s12], $0x80  }
0xc9: {  	[sflag:s12] =	ssyncset.done $0x0  }
0xca: {  	[sflag:s12] =	ssyncadd.s32 $0xFFFFFF80  }
0xcb: {  	_ =	swait.ge [sflag:s12], $0x80  }
0xcc: {  	[sflag:s12] =	ssyncset.done $0x0  }
0xcd: {  	s21 =	sadd.s32 s4, s20;
	[sflag:s12] =	ssyncadd.s32 $0xFFFFFF80  }
0xce: {  	s21 =	sadd.s32 $0xFFFFF800, s21;
	_ =	swait.ge [sflag:s12], $0x80  }
0xcf: {  	s21 =	sshrl.u32 s21, $0x3;
	[sflag:s12] =	ssyncset.done $0x0  }
0xd0: {  	s31 =	sadd.s32 $0xFC00, s20;
	s21 =	sadd.s32 s2, s21;
	[sflag:s12] =	ssyncadd.s32 $0xFFFFFF80  }
0xd1: {  	[hbm4b:s21+s3] =	stream.linear.scatter [tilespmem:s31], [sflag:$0x2], $0x800, $0x38;
	[tilespmem:$0x1D400] =	vst v63  }
.LBB2_9:
0xd2: {  	s19 =	sadd.s32 $0x1, s19  }
0xd3: {  	p0 =	sne.s32 s19, $0x1A  }
.Ltmp4:
0xd4: {  	_ = 	snop;
	(pc) =	sbr.rel @!p0 .LBB2_10-.Ltmp4, $2  }
0xd5: {  	_ =	sdelay $0x2  }
0xd6: {  	s17 =	sadd.s32 $0x800, s17;
	s18 =	sadd.s32 $0x200, s18  }
.LBB2_4:
0xd7: {  	s20 =	sshll.u32 s19, $0xB  }
0xd8: {  	s21 =	sadd.s32 $0x10400, s20;
	s22 =	sadd.s32 $0x3400, s20  }
0xd9: {  	[tilespmem:s21], [sflag:$0x1] =	stream.indirect.gather [hbm4b:s5+s11], $0x1, s22, s11, $0xb8;
	[tilespmem:$0x1D400] =	vst v63  }
0xda: {  	s25 =	sadd.s32 $0x10480, s20;
	s26 =	sadd.s32 $0x3480, s20  }
0xdb: {  	[tilespmem:s25], [sflag:$0x1] =	stream.indirect.gather [hbm4b:s5+s11], $0x1, s26, s11, $0xb8;
	[tilespmem:$0x1D400] =	vst v63  }
0xdc: {  	s28 =	sadd.s32 $0x10500, s20;
	s29 =	sadd.s32 $0x3500, s20  }
0xdd: {  	[tilespmem:s28], [sflag:$0x1] =	stream.indirect.gather [hbm4b:s5+s11], $0x1, s29, s11, $0xb8;
	[tilespmem:$0x1D400] =	vst v63  }
0xde: {  	s30 =	sadd.s32 $0x10580, s20;
	s31 =	sadd.s32 $0x3580, s20  }
0xdf: {  	[tilespmem:s30], [sflag:$0x1] =	stream.indirect.gather [hbm4b:s5+s11], $0x1, s31, s11, $0xb8;
	[tilespmem:$0x1D400] =	vst v63  }
0xe0: {  	s23 =	sadd.s32 $0x10600, s20;
	s24 =	sadd.s32 $0x3600, s20  }
0xe1: {  	[tilespmem:s23], [sflag:$0x1] =	stream.indirect.gather [hbm4b:s5+s11], $0x1, s24, s11, $0xb8;
	[tilespmem:$0x1D400] =	vst v63  }
0xe2: {  	s25 =	sadd.s32 $0x10680, s20;
	s26 =	sadd.s32 $0x3680, s20  }
0xe3: {  	[tilespmem:s25], [sflag:$0x1] =	stream.indirect.gather [hbm4b:s5+s11], $0x1, s26, s11, $0xb8;
	[tilespmem:$0x1D400] =	vst v63  }
0xe4: {  	s28 =	sadd.s32 $0x10700, s20;
	s29 =	sadd.s32 $0x3700, s20  }
0xe5: {  	[tilespmem:s28], [sflag:$0x1] =	stream.indirect.gather [hbm4b:s5+s11], $0x1, s29, s11, $0xb8;
	[tilespmem:$0x1D400] =	vst v63  }
0xe6: {  	s30 =	sadd.s32 $0x10780, s20;
	s31 =	sadd.s32 $0x3780, s20  }
0xe7: {  	[tilespmem:s30], [sflag:$0x1] =	stream.indirect.gather [hbm4b:s5+s11], $0x1, s31, s11, $0xb8;
	[tilespmem:$0x1D400] =	vst v63  }
0xe8: {  	s23 =	sadd.s32 $0x10800, s20;
	s24 =	sadd.s32 $0x3800, s20  }
0xe9: {  	[tilespmem:s23], [sflag:$0x1] =	stream.indirect.gather [hbm4b:s5+s11], $0x1, s24, s11, $0xb8;
	[tilespmem:$0x1D400] =	vst v63  }
0xea: {  	s25 =	sadd.s32 $0x10880, s20;
	s26 =	sadd.s32 $0x3880, s20  }
0xeb: {  	[tilespmem:s25], [sflag:$0x1] =	stream.indirect.gather [hbm4b:s5+s11], $0x1, s26, s11, $0xb8;
	[tilespmem:$0x1D400] =	vst v63  }
0xec: {  	s28 =	sadd.s32 $0x10900, s20;
	s29 =	sadd.s32 $0x3900, s20  }
0xed: {  	[tilespmem:s28], [sflag:$0x1] =	stream.indirect.gather [hbm4b:s5+s11], $0x1, s29, s11, $0xb8;
	[tilespmem:$0x1D400] =	vst v63  }
0xee: {  	s30 =	sadd.s32 $0x10980, s20;
	s31 =	sadd.s32 $0x3980, s20  }
0xef: {  	[tilespmem:s30], [sflag:$0x1] =	stream.indirect.gather [hbm4b:s5+s11], $0x1, s31, s11, $0xb8;
	[tilespmem:$0x1D400] =	vst v63  }
0xf0: {  	s23 =	sadd.s32 $0x10A00, s20;
	s24 =	sadd.s32 $0x3A00, s20  }
0xf1: {  	[tilespmem:s23], [sflag:$0x1] =	stream.indirect.gather [hbm4b:s5+s11], $0x1, s24, s11, $0xb8;
	[tilespmem:$0x1D400] =	vst v63  }
0xf2: {  	p0 =	seq.s32 s19, $0x19;
	s25 =	sadd.s32 $0x10A80, s20;
	s26 =	sadd.s32 $0x3A80, s20  }
0xf3: {  	[tilespmem:s25], [sflag:$0x1] =	stream.indirect.gather [hbm4b:s5+s11], $0x1, s26, s11, $0xb8;
	[tilespmem:$0x1D400] =	vst v63  }
.Ltmp5:
0xf4: {  	_ = 	snop;
	(pc) =	sbr.rel @p0 .LBB2_8-.Ltmp5, $4  }
0xf5: {  	s28 =	sadd.s32 $0x10B00, s20;
	s29 =	sadd.s32 $0x3B00, s20  }
0xf6: {  	[tilespmem:s28], [sflag:$0x1] =	stream.indirect.gather [hbm4b:s5+s11], $0x1, s29, s11, $0xb8;
	[tilespmem:$0x1D400] =	vst v63  }
0xf7: {  	s30 =	sadd.s32 $0x10B80, s20;
	s31 =	sadd.s32 $0x3B80, s20  }
0xf8: {  	[tilespmem:s30], [sflag:$0x1] =	stream.indirect.gather [hbm4b:s5+s11], $0x1, s31, s11, $0xb8;
	[tilespmem:$0x1D400] =	vst v63  }
0xf9: {  	s21 =	sshra.s32 s16, $0x2  }
0xfa: {  	s22 =	sadd.s32 s16, s17;
	s21 =	sadd.s32 s21, s18  }
0xfb: {  	v6 =	vor.u32 s22, v0;
	v5 =	vld [tilespmem:s21+$0x0];
	s21 =	sadd.s32 $0x40, s16  }
.LBB2_6:
0xfc: {  	p0 =	sne.s32 s21, $0x7C0;
	v7 =	vor.u32 s22, v2  }
0xfd: {  	v8 =	vor.u32 s22, v3  }
0xfe: {  	v9 =	vor.u32 s22, v4;
	_ =	sdelay $0x1  }
.Ltmp6:
0xff: {  	[tilespmem:v6+s10+$0x0] =	vst.idx.msk $0xffff, v5;
	v6 =	vadd.s32 $0x80, v5;
	(pc) =	sbr.rel @p0 .LBB2_6-.Ltmp6, $4  }
0x100: {  	[tilespmem:v7+s10+$0x0] =	vst.idx.msk $0xffff, v6;
	v6 =	vadd.s32 $0x100, v5  }
0x101: {  	s22 =	sshra.s32 s21, $0x2;
	v5 =	vadd.s32 $0x180, v5;
	[tilespmem:v8+s10+$0x0] =	vst.idx.msk $0xffff, v6  }
0x102: {  	s23 =	sadd.s32 s22, s18;
	s22 =	sadd.s32 s21, s17;
	[tilespmem:v9+s10+$0x0] =	vst.idx.msk $0xffff, v5  }
0x103: {  	s21 =	sadd.s32 $0x40, s21;
	v6 =	vor.u32 s22, v0;
	v5 =	vld [tilespmem:s23+$0x0]  }
0x104: {  	v7 =	vor.u32 s22, v2  }
0x105: {  	v8 =	vor.u32 s22, v3  }
0x106: {  	v9 =	vor.u32 s22, v4;
	p0 =	seq.s32 s19, $0x0  }
.Ltmp7:
0x107: {  	_ = 	snop;
	(pc) =	sbr.rel @!p0 .LBB2_8-.Ltmp7, $4  }
.Ltmp8:
0x108: {  	[tilespmem:v6+s10+$0x0] =	vst.idx.msk $0xffff, v5;
	v6 =	vadd.s32 $0x80, v5;
	(pc) =	sbr.rel @p0 .LBB2_9-.Ltmp8, $4  }
0x109: {  	[tilespmem:v7+s10+$0x0] =	vst.idx.msk $0xffff, v6;
	v6 =	vadd.s32 $0x100, v5  }
0x10a: {  	v5 =	vadd.s32 $0x180, v5;
	[tilespmem:v8+s10+$0x0] =	vst.idx.msk $0xffff, v6  }
0x10b: {  	[tilespmem:v9+s10+$0x0] =	vst.idx.msk $0xffff, v5  }
0x10c: {  	_ = 	snop  }
.LBB2_11:
0x10d: {  	_ =	sfence.sel $0x180000  }
0x10e: {  	[bflag:$0x0] =	sbarrier.arrive $0xFFFF  }
0x10f: {  	p0 =	sne.s32 s0, $0x0;
	_ =	strace $0x9000004A  }
0x110: {  	s0 =	sadd.s32 @!p0 $0x100000, s1;
	[bflag:$0x2] =	sbarrier.arrive $0xFFFF  }
0x111: {  	[sflag:s0] =	ssyncadd.tile.s32 @!p0 $0x1;
	_ =	shalt  }
.Lfunc_end2:
_tile_overlayer_lowered:
.L_overlay_start_2:
0x112: {  	(tag) =	ssettag $0x2  }
0x113: {  	s0 =	rddreg [dreg:$0x0];
	s2 =	stileid.u32  }
0x114: {  	s1 =	rddreg [dreg:$0x1];
	p0 =	sne.s32 s2, $0x0  }
0x115: {  	s3 =	rddreg [dreg:$0x2];
	[bflag:$0x3] =	sbarrier.arrive $0xFFFF;
	s2 =	simm.s32 @!p0 $0x1C03  }
0x116: {  	[timem:s3], [sflag:s2] =	dma.local @!p0 [hbm:s0], s1  }
0x117: {  	s0 =	simm.s32 @!p0 $0x3  }
0x118: {  	_ =	swait.ge @!p0 [sflag:s0], s1  }
0x119: {  	s1 =	ssub.s32 @!p0 $0x0, s1;
	[sflag:s0] =	ssyncset.done @!p0 $0x0  }
0x11a: {  	[sflag:s0] =	ssyncadd.s32 @!p0 s1  }
0x11b: {  	[bflag:$0x3] =	sbarrier.arrive $0xFFFF  }
0x11c: {  	_ =	shalt  }

// kernel: sparse-core-data-format-call.cloned.1.call-start
scs
called_computation_lowered:
.L_overlay_start_0:
0x0: {  	s1 =	sld [smem:$0x3FD9]  }
0x1: {  	s2 =	sld [smem:$0x3FFE];
	_ =	sdelay $0x1  }
0x2: {  	s3 =	srdreg.scid  }
0x3: {  	s0 =	sand.u32 $0x1, s3  }
0x4: {  	s17 =	sshll.u32 s0, $0xA;
	s1 =	sadd.s32 s2, s1  }
0x5: {  	s1 =	sadd.s32 s1, s17  }
0x6: {  	[smem:$0x3FC6] =	sst s1  }
0x7: {  	_ = 	snop  }
0x8: {  	(tm) =	ssettm $0x1  }
0x9: {  	s18 =	sld [smem:$0x3FFB];
	_ =	sdelay $0x3  }
0xa: {  	_ =	strace s18  }
0xb: {  	s1 =	sld [smem:$0x3FFC];
	_ =	sdelay $0x3  }
0xc: {  	_ =	strace s1  }
0xd: {  	s1 =	sld [smem:$0x3FFD];
	_ =	sdelay $0x3  }
0xe: {  	_ =	strace s1  }
0xf: {  	_ =	strace $0x8FFFFFFF  }
0x10: {  	s19 =	sld [smem:$0x3FDB];
	_ =	sdelay $0x1  }
0x11: {  	s20 =	simm.s32 $_scs_section_size  }
0x12: {  	s4 =	simm.s32 $_size__tile_overlayer_lowered;
	s5 =	simm.s32 $_tile_overlayer_lowered  }
0x13: {  	s23 =	simm.s32 $0x1BFF;
	s22 =	sshll.u32 s5, $0x1;
	s1 =	sadd.s32 s20, s19  }
0x14: {  	s6 =	simm.s32 $0x0;
	s21 =	sshll.u32 s4, $0x1;
	s4 =	sadd.s32 s22, s1  }
0x15: {  	[timem:s6], [sflag:s23] =	dma.local [hbm:s4], s21  }
0x16: {  	_ =	swait.ge [sflag:s23], s21  }
0x17: {  	s2 =	ssub.s32 $0x0, s21;
	[sflag:s23] =	ssyncset.done $0x0  }
0x18: {  	[sflag:s23] =	ssyncadd.s32 s2;
	_ =	sdelay $0x1  }
0x19: {  	s24 =	simm.s32 $0x1B8B  }
0x1a: {  	_ =	swait.ge [sflag:s24], $0x1  }
0x1b: {  	[sflag:s24] =	ssyncset.done $0x0  }
0x1c: {  	s26 =	simm.s32 $0x1B8E;
	s25 =	sld [smem:$0x3FFE];
	[sflag:s24] =	ssyncadd.s32 $0xFFFFFFFF  }
0x1d: {  	s27 =	simm.s32 $execute0_lowered;
	[smem:$0x3FD2] =	sst s26  }
0x1e: {  	s4 =	sshll.u32 s27, $0x1;
	_ =	strace $0x80000046;
	[dreg:$0x1] =	wrdreg $0xFFFFFFFF  }
0x1f: {  	s28 =	simm.s32 $_size_execute0_lowered;
	s1 =	sadd.s32 s1, s4;
	[dreg:$0x0] =	wrdreg $0x0  }
0x20: {  	s4 =	sshll.u32 s28, $0x1;
	[dreg:$0x2] =	wrdreg s1  }
0x21: {  	[dreg:$0x3] =	wrdreg s4  }
0x22: {  	[dreg:$0x4] =	wrdreg $0xC0  }
0x23: {  	_ =	task [dreg:s6], $0x5FFFF  }
0x24: {  	[dreg:$0x1] =	wrdreg $0xFFFFFFFF  }
0x25: {  	[dreg:$0x0] =	wrdreg $0x60  }
0x26: {  	[dreg:$0x2] =	wrdreg s25  }
0x27: {  	[dreg:$0x3] =	wrdreg $0x9  }
0x28: {  	_ =	task.clear_ibuf [dreg:s6], $0x4FFFF;
	_ =	strace $0x90000046  }
0x29: {  	s29 =	simm.s32 $0x9;
	_ =	strace $0x80000048  }
0x2a: {  	_ =	swait.ge [sflag:s29], $0x1  }
0x2b: {  	[sflag:s29] =	ssyncadd.s32 $0xFFFFFFFF  }
0x2c: {  	_ =	strace $0x90000048  }
0x2d: {  	_ =	sfence  }
0x2e: {  	s30 =	sld [smem:$0x0];
	_ =	sdelay $0x2  }
0x2f: {  	s31 =	sshll.u32 s3, $0xD;
	s3 =	sshrl.u32 s3, $0x2  }
0x30: {  	s2 =	sand.u32 $0x4000, s31;
	s1 =	sadd.s32 s3, s30  }
0x31: {  	s0 =	sor.u32 s2, s0;
	s1 =	sshll.u32 s1, $0x11  }
0x32: {  	s0 =	sor.u32 s1, s0  }
0x33: {  	s0 =	sadd.s32 $0x8F2B, s0  }
0x34: {  	[sflag:s0] =	ssyncadd.remote.s32 $0x1  }
0x35: {  	_ =	sfence.sel $0xFFFF  }
0x36: {  	[dreg:$0x0] =	wrdreg $0xFFFFFFFF;
	(pc) =	sbr.abs _section_cstart, $3  }
0x37: {  	[dreg:$0x1] =	wrdreg $0xFFFFFFFF  }
0x38: {  	_ =	task.clear_ibuf [dreg:s6], $0x2FFFF;
	_ =	strace $0x9FFFFFFF  }
0x39: {  	(tm) =	ssettm $0x7FFFFFFF  }
tec
execute0_lowered:
.L_overlay_start_1:
0x0: {  	(tag) =	ssettag $0x1  }
0x1: {  	s0 =	stileid.u32;
	s1 =	srdreg.scid  }
0x2: {  	s5 =	rddreg [dreg:$0x0];
	s7 =	simm.s32 $0x2;
	s12 =	simm.s32 $0x0  }
0x3: {  	s11 =	simm.s32 $0x200;
	s17 =	simm.s32 $0x0;
	s13 =	simm.s32 $0x0  }
0x4: {  	s18 =	simm.s32 $0x0;
	s1 =	sshll.u32 s1, $0x9;
	s2 =	sshll.u32 s0, $0x5  }
0x5: {  	s14 =	simm.s32 $0x0;
	s15 =	simm.s32 $0x0;
	s1 =	sor.u32 s2, s1  }
0x6: {  	s16 =	simm.s32 $0x0;
	s2 =	sand.u32 $0x3, s0;
	s3 =	sand.u32 $0x380, s1  }
0x7: {  	s1 =	rddreg [dreg:$0x1];
	s4 =	smul.u32 $0x3100, s2;
	_ =	strace $0x80000047  }
0x8: {  	s6 =	ssub.s32 $0x30E, s3;
	p1 =	slt.u32 s3, $0x310;
	s9 =	smax.u32 s3, $0x290  }
0x9: {  	p0 =	sgt.s32 s6, $0x0;
	s8 =	sadd.s32 s4, s5;
	s4 =	simm.s32 $0x1  }
0xa: {  	s5 =	sadd.s32 $0xC00, s5;
	s6 =	simm.s32 @!p0 $0x0;
	[sflag:s4] =	ssyncpa.u1 $0x0  }
0xb: {  	s6 =	sand.u32 $0x38E, s6;
	[sflag:s7] =	ssyncpa.u1 $0x0;
	s7 =	sshll.u32 s3, $0x4  }
.Ltmp0:
0xc: {  	p0 =	seq.s32 s6, $0x0;
	s6 =	simm.s32 $0x0;
	(pc) =	sbr.rel .LBB1_1-.Ltmp0, $4  }
0xd: {  	s9 =	sshll.u32 s9, $0x7;
	s10 =	sadd.s32 $0xFFFFCF00, s7;
	s6 =	simm.s32 @!p0 $0x1A  }
0xe: {  	s10 =	smov.u32 @p1 s7;
	p0 =	sgt.u32 s3, $0x30F;
	s7 =	ssub.s32 $0x18800, s9  }
0xf: {  	s8 =	sadd.s32 s10, s8;
	s7 =	simm.s32 @p0 $0x0;
	s9 =	sor.u32 $0x1, s6  }
0x10: {  	p0 =	por $0x0, $0x0;
	s10 =	simm.s32 $0x80;
	s8 =	sadd.s32 $0x13E800, s8  }
.LBB1_11:
0x11: {  	p1 =	sgt.s32 s13, $0x28E;
	s21 =	smov.u32 s13  }
0x12: {  	s21 =	simm.s32 @!p1 $0x28E  }
0x13: {  	s21 =	sshll.u32 s21, $0x7  }
0x14: {  	s22 =	smul.u32 $0xC380, s14;
	p1 =	sgt.u32 s13, $0x30D;
	s21 =	ssub.s32 $0x18700, s21  }
0x15: {  	s21 =	simm.s32 @p1 $0x0  }
0x16: {  	s18 =	sshll.u32 s18, $0x4;
	s30 =	sadd.s32 s5, s22;
	s19 =	smul.u32 s19, s21  }
0x17: {  	s31 =	sshll.u32 s13, $0x6;
	s18 =	sadd.s32 s18, s30  }
0x18: {  	s20 =	sor.u32 $0x8000, s20;
	s18 =	sadd.s32 s31, s18;
	s19 =	sand.u32 $0x3FFFFF80, s19  }
0x19: {  	[hbm4b:s18+s10] =	stream.strided.scatter [tilespmem:s20], [sflag:$0x2], s19, s11, s10, $0x38;
	[tilespmem:$0x10000] =	vst v63  }
.LBB1_12:
0x1a: {  	p1 =	slt.u32 s16, $0x2  }
0x1b: {  	s18 =	smov.u32 s17;
	p2 =	sgt.s32 @!p1 s17, $0x19  }
0x1c: {  	s21 =	sadd.s32 $0x1, s16;
	s19 =	sshra.s32 @!p1 s17, $0x1F;
	p2 =	por !p2, p1  }
0x1d: {  	s17 =	sand.u32 @!p1 s19, s17;
	s18 =	simm.s32 @p2 $0x19;
	p2 =	sgt.s32 @!p1 s12, $0x28E  }
0x1e: {  	p3 =	sgt.s32 @!p1 s12, $0x30D;
	s17 =	ssub.s32 @!p1 s18, s17;
	p2 =	por !p2, p1  }
0x1f: {  	p3 =	por !p3, p1;
	s18 =	sadd.s32 @!p1 $0xFFFFFFE7, s17;
	s12 =	simm.s32 @p2 $0x28E  }
0x20: {  	s19 =	sadd.s32 $0x1, s15;
	p2 =	sgt.s32 @!p1 s18, $0x0;
	s12 =	sshll.u32 @!p1 s12, $0x7  }
0x21: {  	s17 =	ssub.s32 @!p1 $0x1A, s17;
	p2 =	por !p2, p1;
	s12 =	ssub.s32 @!p1 $0x18700, s12  }
0x22: {  	s17 =	simm.s32 @!p2 $0x0;
	s12 =	simm.s32 @!p3 $0x0;
	p2 =	sgt.s32 s19, $0x19  }
0x23: {  	s12 =	smul.u32 @!p1 s17, s12;
	s19 =	simm.s32 @p2 $0x0;
	p2 =	sne.s32 s16, s9  }
.Ltmp1:
0x24: {  	p0 =	por !p0, !p0;
	s18 =	simm.s32 @!p1 $0x2;
	(pc) =	sbr.rel @!p2 .LBB1_13-.Ltmp1, $4  }
0x25: {  	s17 =	smov.u32 s14;
	s14 =	smov.u32 s15;
	s12 =	sand.u32 @!p1 $0x3FFFFF80, s12  }
0x26: {  	s16 =	smov.u32 s21;
	s15 =	smov.u32 s19;
	_ =	swait.ge @!p1 [sflag:s18], s12  }
0x27: {  	s20 =	ssub.s32 @!p1 $0x0, s12;
	s12 =	smov.u32 s13;
	[sflag:s18] =	ssyncset.done @!p1 $0x0  }
0x28: {  	s13 =	smov.u32 s3;
	[sflag:s18] =	ssyncadd.s32 @!p1 s20;
	s18 =	smov.u32 s2  }
.LBB1_1:
0x29: {  	p1 =	sge.u32 s16, s6  }
0x2a: {  	p2 =	sgt.s32 @!p1 s15, $0x19  }
0x2b: {  	s19 =	smov.u32 s15;
	s20 =	sshra.s32 @!p1 s15, $0x1F;
	p2 =	por !p2, p1  }
0x2c: {  	s20 =	sand.u32 @!p1 s20, s15;
	s19 =	simm.s32 @p2 $0x19  }
0x2d: {  	s19 =	ssub.s32 @!p1 s19, s20  }
0x2e: {  	s20 =	sadd.s32 @!p1 $0xFFFFFFE7, s19  }
0x2f: {  	p2 =	sgt.s32 @!p1 s20, $0x0  }
0x30: {  	s19 =	ssub.s32 @!p1 $0x1A, s19;
	p2 =	por !p2, p1  }
0x31: {  	s21 =	smul.u32 @!p1 $0xC400, s15;
	s19 =	simm.s32 @!p2 $0x0  }
0x32: {  	s20 =	sxor.u32 @!p1 $0xFFFFFFFF, s16;
	s19 =	smul.u32 @!p1 s19, s7  }
0x33: {  	s31 =	sadd.s32 $0xFFFFFFFF, s16;
	s22 =	simm.s32 @!p1 $0x0;
	s20 =	sshll.u32 @!p1 s20, $0xE  }
0x34: {  	s21 =	sadd.s32 @!p1 s21, s8;
	s20 =	sand.u32 @!p1 $0x4000, s20;
	s19 =	sand.u32 @!p1 $0x3FFFFF80, s19  }
0x35: {  	[tilespmem:s20], [sflag:$0x1] =	stream.linear.gather @!p1 [hbm4b:s21+s22], s19, $0x38;
	[tilespmem:$0x10000] =	vst v63  }
0x36: {  	p1 =	sge.u32 s31, s6  }
.Ltmp2:
0x37: {  	_ = 	snop;
	(pc) =	sbr.rel @p1 .LBB1_12-.Ltmp2, $1  }
0x38: {  	_ =	sdelay $0x3  }
0x39: {  	p1 =	sgt.s32 s14, $0x19;
	s19 =	smov.u32 s14;
	s20 =	sshra.s32 s14, $0x1F  }
0x3a: {  	s19 =	simm.s32 @!p1 $0x19;
	s20 =	sand.u32 s20, s14  }
0x3b: {  	s21 =	smov.u32 s13;
	p1 =	sgt.s32 s13, $0x290;
	s19 =	ssub.s32 s19, s20  }
0x3c: {  	s21 =	simm.s32 @!p1 $0x290;
	s20 =	sadd.s32 $0xFFFFFFE7, s19;
	s19 =	ssub.s32 $0x1A, s19  }
0x3d: {  	s30 =	sshll.u32 s21, $0x7;
	s21 =	sadd.s32 $0x1, s14;
	p2 =	sgt.s32 s20, $0x0  }
0x3e: {  	s22 =	smov.u32 s13;
	s19 =	simm.s32 @p2 $0x0;
	p2 =	slt.s32 s21, $0x1A  }
0x3f: {  	p1 =	sgt.u32 s13, $0x30F;
	s20 =	ssub.s32 $0x18800, s30;
	s21 =	simm.s32 @!p2 $0x1A  }
0x40: {  	s20 =	simm.s32 @p1 $0x0;
	p1 =	slt.s32 s13, $0x28E;
	s21 =	ssub.s32 s21, s14  }
0x41: {  	s22 =	simm.s32 @!p1 $0x28E;
	p1 =	slt.s32 s21, $0x1  }
0x42: {  	s23 =	ssub.s32 @!p1 s22, s13  }
0x43: {  	p2 =	slt.s32 @!p1 s23, $0xFFFFFF81  }
0x44: {  	s20 =	smul.u32 s19, s20;
	p1 =	por p1, p2  }
.Ltmp3:
0x45: {  	_ = 	snop;
	(pc) =	sbr.rel @p1 .LBB1_11-.Ltmp3, $4  }
0x46: {  	s20 =	sand.u32 $0x3FFFFF80, s20  }
0x47: {  	_ =	swait.ge [sflag:s4], s20  }
0x48: {  	s31 =	sshll.u32 s16, $0xE;
	s20 =	ssub.s32 $0x0, s20;
	[sflag:s4] =	ssyncset.done $0x0  }
0x49: {  	[sflag:s4] =	ssyncadd.s32 s20;
	s20 =	sand.u32 $0x4000, s31  }
0x4a: {  	s23 =	simm.s32 $0x1  }
0x4b: {  	s23 =	simm.s32 @!p0 $0x0  }
0x4c: {  	s22 =	ssub.s32 s22, s13;
	s25 =	simm.s32 $0x0;
	s23 =	sshll.u32 s23, $0xE  }
0x4d: {  	s22 =	sadd.s32 $0x80, s22;
	s24 =	sor.u32 $0x8040, s23;
	s23 =	simm.s32 $0x0  }
.LBB1_4:
0x4e: {  	s26 =	sshll.u32 s25, $0x10  }
0x4f: {  	s26 =	sshra.s32 s26, $0x2  }
0x50: {  	p2 =	sne.s32 s22, $0x1;
	s26 =	sadd.s32 s26, s20  }
.Ltmp4:
0x51: {  	v0 =	vmov s26;
	(pc) =	sbr.rel @!p2 .LBB1_5-.Ltmp4, $2  }
0x52: {  	_ =	sdelay $0x2  }
0x53: {  	s27 =	sand.u32 $0x3F80, s23;
	p1 =	por $0x0, $0x0;
	s26 =	sadd.s32 $0xFFFFFFFF, s22  }
0x54: {  	_ =	sdelay $0x3  }
0x55: {  	v1 =	vld.idx.msk [tilespmem:v0+s27+$0x70 ss:$0x1], $0xffff  }
0x56: {  	v7 =	vld.idx.msk [tilespmem:v0+s27+$0x0 ss:$0x1], $0xffff  }
0x57: {  	v2 =	vld.idx.msk [tilespmem:v0+s27+$0x10 ss:$0x1], $0xffff;
	p2 =	sne.s32 s26, $0x1  }
.Ltmp5:
0x58: {  	v4 =	vld.idx.msk [tilespmem:v0+s27+$0x20 ss:$0x1], $0xffff;
	(pc) =	sbr.rel @!p2 .LBB1_7-.Ltmp5, $4  }
0x59: {  	v5 =	vld.idx.msk [tilespmem:v0+s27+$0x30 ss:$0x1], $0xffff  }
0x5a: {  	v6 =	vld.idx.msk [tilespmem:v0+s27+$0x40 ss:$0x1], $0xffff  }
0x5b: {  	v3 =	vld.idx.msk [tilespmem:v0+s27+$0x50 ss:$0x1], $0xffff;
	s29 =	simm.s32 $0x80;
	s30 =	sadd.s32 $0xFFFFFFFF, s26;
	[tilespmem:s24+$0x30] =	vst v1  }
0x5c: {  	p1 =	por $0x1, $0x1;
	s26 =	smov.u32 s24;
	s28 =	sand.u32 $0x3F80, s29;
	[tilespmem:s24+$0xFFFFFFC0] =	vst v7;
	v1 =	vld.idx.msk [tilespmem:v0+s27+$0x60 ss:$0x1], $0xffff  }
.LBB1_8:
0x5d: {  	p2 =	sne.s32 s30, $0x1;
	v7 =	vld.idx.msk [tilespmem:v0+s28+$0x70 ss:$0x1], $0xffff;
	[tilespmem:s26+$0xFFFFFFD0] =	vst v2  }
0x5e: {  	v8 =	vld.idx.msk [tilespmem:v0+s28+$0x0 ss:$0x1], $0xffff;
	[tilespmem:s26+$0xFFFFFFE0] =	vst v4  }
0x5f: {  	v2 =	vld.idx.msk [tilespmem:v0+s28+$0x10 ss:$0x1], $0xffff;
	[tilespmem:s26+$0xFFFFFFF0] =	vst v5  }
.Ltmp6:
0x60: {  	v4 =	vld.idx.msk [tilespmem:v0+s28+$0x20 ss:$0x1], $0xffff;
	[tilespmem:s26+$0x0] =	vst v6;
	(pc) =	sbr.rel @p2 .LBB1_8-.Ltmp6, $4  }
0x61: {  	v5 =	vld.idx.msk [tilespmem:v0+s28+$0x30 ss:$0x1], $0xffff;
	[tilespmem:s26+$0x10] =	vst v3  }
0x62: {  	v6 =	vld.idx.msk [tilespmem:v0+s28+$0x40 ss:$0x1], $0xffff;
	[tilespmem:s26+$0x20] =	vst v1;
	s26 =	sadd.s32 $0x80, s26  }
0x63: {  	s29 =	sadd.s32 $0x80, s29;
	v3 =	vld.idx.msk [tilespmem:v0+s28+$0x50 ss:$0x1], $0xffff;
	[tilespmem:s26+$0x30] =	vst v7  }
0x64: {  	s30 =	sadd.s32 $0xFFFFFFFF, s30;
	[tilespmem:s26+$0xFFFFFFC0] =	vst v8;
	v1 =	vld.idx.msk [tilespmem:v0+s28+$0x60 ss:$0x1], $0xffff;
	s28 =	sand.u32 $0x3F80, s29  }
0x65: {  	s27 =	smov.u32 s28  }
.LBB1_10:
0x66: {  	_ =	sdelay $0x2  }
0x67: {  	[tilespmem:s26+$0xFFFFFFD0] =	vst @p1 v2  }
0x68: {  	v7 =	vld.idx.msk [tilespmem:v0+s27+$0x70 ss:$0x1], $0xffff;
	[tilespmem:s26+$0xFFFFFFE0] =	vst @p1 v4  }
0x69: {  	v57 =	vld.idx.msk [tilespmem:v0+s27+$0x0 ss:$0x1], $0xffff;
	[tilespmem:s26+$0xFFFFFFF0] =	vst @p1 v5  }
0x6a: {  	v58 =	vld.idx.msk [tilespmem:v0+s27+$0x10 ss:$0x1], $0xffff;
	[tilespmem:s26+$0x0] =	vst @p1 v6  }
0x6b: {  	v59 =	vld.idx.msk [tilespmem:v0+s27+$0x20 ss:$0x1], $0xffff;
	s28 =	sadd.s32 @p1 $0x80, s26;
	[tilespmem:s26+$0x10] =	vst @p1 v3  }
0x6c: {  	s29 =	sadd.s32 $0x4000, s24;
	v60 =	vld.idx.msk [tilespmem:v0+s27+$0x30 ss:$0x1], $0xffff;
	s24 =	smov.u32 @p1 s28;
	[tilespmem:s26+$0x20] =	vst @p1 v1  }
0x6d: {  	v61 =	vld.idx.msk [tilespmem:v0+s27+$0x40 ss:$0x1], $0xffff;
	[tilespmem:s24+$0x30] =	vst v7  }
0x6e: {  	v62 =	vld.idx.msk [tilespmem:v0+s27+$0x50 ss:$0x1], $0xffff;
	s25 =	sadd.s32 $0x1, s25;
	[tilespmem:s24+$0xFFFFFFC0] =	vst v57  }
0x6f: {  	v63 =	vld.idx.msk [tilespmem:v0+s27+$0x60 ss:$0x1], $0xffff;
	p2 =	sne.s32 s25, s21;
	[tilespmem:s24+$0xFFFFFFD0] =	vst v58  }
.Ltmp7:
0x70: {  	[tilespmem:s24+$0xFFFFFFE0] =	vst v59;
	(pc) =	sbr.rel @p2 .LBB1_4-.Ltmp7, $4  }
.Ltmp8:
0x71: {  	[tilespmem:s24+$0xFFFFFFF0] =	vst v60;
	(pc) =	sbr.rel @!p2 .LBB1_11-.Ltmp8, $4  }
0x72: {  	[tilespmem:s24+$0x0] =	vst v61  }
0x73: {  	[tilespmem:s24+$0x10] =	vst v62  }
0x74: {  	[tilespmem:s24+$0x20] =	vst v63;
	s24 =	smov.u32 s29  }
0x75: {  	_ = 	snop  }
.LBB1_5:
.Ltmp9:
0x76: {  	(pc) =	sbr.rel .LBB1_10-.Ltmp9, $2  }
0x77: {  	_ =	sdelay $0x2  }
0x78: {  	s26 =	smov.u32 s24  }
.LBB1_7:
.Ltmp10:
0x79: {  	(pc) =	sbr.rel .LBB1_10-.Ltmp10, $2  }
0x7a: {  	_ =	sdelay $0x2  }
0x7b: {  	s27 =	smov.u32 s28;
	s26 =	smov.u32 s24  }
.LBB1_13:
0x7c: {  	_ =	sfence.sel $0x180000  }
0x7d: {  	s2 =	simm.s32 $0x1;
	[bflag:$0x0] =	sbarrier.arrive $0xFFFF  }
0x7e: {  	s31 =	simm.s32 $0x2;
	[sflag:s2] =	ssyncpa.u1 $0x1  }
0x7f: {  	[sflag:s31] =	ssyncpa.u1 $0x1  }
0x80: {  	p0 =	sne.s32 s0, $0x0;
	_ =	strace $0x90000047  }
0x81: {  	s0 =	sadd.s32 @!p0 $0x100000, s1;
	[bflag:$0x2] =	sbarrier.arrive $0xFFFF  }
0x82: {  	[sflag:s0] =	ssyncadd.tile.s32 @!p0 $0x1;
	_ =	shalt  }
.Lfunc_end1:
_tile_overlayer_lowered:
.L_overlay_start_2:
0x83: {  	(tag) =	ssettag $0x2  }
0x84: {  	s0 =	rddreg [dreg:$0x0];
	s2 =	stileid.u32  }
0x85: {  	s1 =	rddreg [dreg:$0x1];
	p0 =	sne.s32 s2, $0x0  }
0x86: {  	s3 =	rddreg [dreg:$0x2];
	[bflag:$0x3] =	sbarrier.arrive $0xFFFF;
	s2 =	simm.s32 @!p0 $0x1C01  }
0x87: {  	[timem:s3], [sflag:s2] =	dma.local @!p0 [hbm:s0], s1  }
0x88: {  	s0 =	simm.s32 @!p0 $0x1  }
0x89: {  	_ =	swait.ge @!p0 [sflag:s0], s1  }
0x8a: {  	s1 =	ssub.s32 @!p0 $0x0, s1;
	[sflag:s0] =	ssyncset.done @!p0 $0x0  }
0x8b: {  	[sflag:s0] =	ssyncadd.s32 @!p0 s1  }
0x8c: {  	[bflag:$0x3] =	sbarrier.arrive $0xFFFF  }
0x8d: {  	_ =	shalt  }

</sc_bundles>
